<compile_context>
chip_gen: v7x
topology: tpu7x:2x2x1
jax: 0.10.2.dev20260603
libtpu: 0.0.44.dev20260713+nightly
codegen_flags: <defaults>
</compile_context>

<pallas_src>
import functools

import jax
import jax.numpy as jnp
from jax import lax
from jax.experimental import pallas as pl
from jax.experimental.pallas import tpu as pltpu
from jax.experimental.pallas import tpu_sc as plsc

N_NODES = 10000
D = 128
E = 320000
R = 2
NS = 16
LANES = 16
C = 80
EPS = E // NS
NCH = EPS // C
IDXB = 10
NBLK = NCH // IDXB
WB = 80
N_PAD = 10240
ROWS_MAIN = N_PAD // NS


def _sc_segment_sum(x, src, dst):
    mesh = plsc.VectorSubcoreMesh(core_axis_name="c", subcore_axis_name="s")

    @functools.partial(
        pl.kernel,
        compiler_params=pltpu.CompilerParams(use_tc_tiling_on_sc=False),
        out_type=(
            jax.ShapeDtypeStruct((R, N_PAD, D), jnp.float32),
            jax.ShapeDtypeStruct((R, N_PAD, LANES), jnp.float32),
        ),
        mesh=mesh,
        scratch_types=[
            pltpu.VMEM_SHARED((N_PAD, D), jnp.float32),
            pltpu.VMEM_SHARED((N_PAD, LANES), jnp.float32),
            pltpu.VMEM((IDXB, C), jnp.int32),
            pltpu.VMEM((IDXB, C), jnp.int32),
            pltpu.VMEM((C, D), jnp.float32),
            pltpu.VMEM((C, D), jnp.float32),
            pltpu.VMEM((C, LANES), jnp.float32),
            pltpu.VMEM((WB, LANES), jnp.float32),
            pltpu.SemaphoreType.DMA,
            pltpu.SemaphoreType.DMA,
            pltpu.SemaphoreType.DMA,
        ],
    )
    def seg(x_hbm, src_hbm, dst_hbm, a_out, deg_out,
            a_sh, deg_sh, src_v, dst_v, rows_a, rows_b, ones_v, degb_v,
            sga, sgb, sone):
        c = lax.axis_index("c")
        w = lax.axis_index("s")
        r0 = w * ROWS_MAIN

        one16 = jnp.ones((LANES,), jnp.float32)
        zero16 = jnp.zeros((LANES,), jnp.float32)

        @pl.loop(0, C)
        def _(i):
            ones_v[i] = one16
            for k in range(D // LANES):
                rows_a[i, pl.ds(k * LANES, LANES)] = zero16

        @pl.loop(0, WB)
        def _(i):
            degb_v[i] = zero16

        @pl.loop(0, ROWS_MAIN // WB)
        def _(j):
            pltpu.sync_copy(rows_a.at[pl.ds(0, WB)],
                            a_sh.at[pl.ds(r0 + j * WB, WB)])
            pltpu.sync_copy(degb_v, deg_sh.at[pl.ds(r0 + j * WB, WB)])

        plsc.subcore_barrier()

        @pl.loop(0, NBLK)
        def _(blk):
            pltpu.sync_copy(src_hbm.at[c, w, blk], src_v)
            pltpu.sync_copy(dst_hbm.at[c, w, blk], dst_v)

            ones_dmas = [
                pltpu.async_copy(ones_v, deg_sh.at[dst_v.at[j]], sone,
                                 add=True)
                for j in range(IDXB)
            ]

            ga = pltpu.async_copy(x_hbm.at[src_v.at[0]], rows_a, sga)
            for t in range(IDXB // 2):
                j0, j1 = 2 * t, 2 * t + 1
                gb = pltpu.async_copy(x_hbm.at[src_v.at[j1]], rows_b, sgb)
                ga.wait()
                pltpu.sync_copy(rows_a, a_sh.at[dst_v.at[j0]], add=True)
                if t < IDXB // 2 - 1:
                    ga = pltpu.async_copy(x_hbm.at[src_v.at[j0 + 2]],
                                          rows_a, sga)
                gb.wait()
                pltpu.sync_copy(rows_b, a_sh.at[dst_v.at[j1]], add=True)

            for dma in ones_dmas:
                dma.wait()

        plsc.subcore_barrier()

        @pl.loop(0, ROWS_MAIN // WB)
        def _(j):
            pltpu.sync_copy(a_sh.at[pl.ds(r0 + j * WB, WB)],
                            rows_a.at[pl.ds(0, WB)])
            pltpu.sync_copy(rows_a.at[pl.ds(0, WB)],
                            a_out.at[c, pl.ds(r0 + j * WB, WB)])
            pltpu.sync_copy(deg_sh.at[pl.ds(r0 + j * WB, WB)], degb_v)
            pltpu.sync_copy(degb_v, deg_out.at[c, pl.ds(r0 + j * WB, WB)])

    return seg(x, src, dst)


def _tc_body(a_ref, deg_ref, x_ref, wt_ref, b_ref, wst_ref, bs_ref, out_ref):
    acc = jnp.dot(a_ref[0], wt_ref[0], preferred_element_type=jnp.float32,
                  precision=lax.Precision.HIGHEST)
    acc += jnp.dot(a_ref[1], wt_ref[1], preferred_element_type=jnp.float32,
                   precision=lax.Precision.HIGHEST)
    acc += jnp.dot(x_ref[...], wst_ref[...], preferred_element_type=jnp.float32,
                   precision=lax.Precision.HIGHEST)
    acc += deg_ref[0, :, 0:1] * b_ref[0]
    acc += deg_ref[1, :, 0:1] * b_ref[1]
    acc += bs_ref[...]
    out_ref[...] = acc


def _tc_combine(A, Deg, x, Wt, b2, Wst, bs2):
    BLK = 1000
    grid = (N_NODES // BLK,)
    return pl.pallas_call(
        _tc_body,
        grid=grid,
        in_specs=[
            pl.BlockSpec((R, BLK, D), lambda i: (0, i, 0)),
            pl.BlockSpec((R, BLK, LANES), lambda i: (0, i, 0)),
            pl.BlockSpec((BLK, D), lambda i: (i, 0)),
            pl.BlockSpec((R, D, D), lambda i: (0, 0, 0)),
            pl.BlockSpec((R, 1, D), lambda i: (0, 0, 0)),
            pl.BlockSpec((D, D), lambda i: (0, 0)),
            pl.BlockSpec((1, D), lambda i: (0, 0)),
        ],
        out_specs=pl.BlockSpec((BLK, D), lambda i: (i, 0)),
        out_shape=jax.ShapeDtypeStruct((N_NODES, D), jnp.float32),
    )(A, Deg, x, Wt, b2, Wst, bs2)


def kernel(x, edge_indices, W, b, W_self, b_self):
    ei = edge_indices.astype(jnp.int32)
    src = ei[:, 0, :].reshape(R, NS, NBLK, IDXB, C)
    dst = ei[:, 1, :].reshape(R, NS, NBLK, IDXB, C)
    A, Deg = _sc_segment_sum(x, src, dst)
    Wt = jnp.swapaxes(W, 1, 2)
    b2 = b.reshape(R, 1, D)
    bs2 = b_self.reshape(1, D)
    return _tc_combine(A, Deg, x, Wt, b2, Wst=jnp.transpose(W_self), bs2=bs2)

# --- scband reference (transcript-rebuilt; emitter-appended) ---
"""Pipeline reference for scband-aiger-conv-50775103373989 (READ-ONLY COPY).

The authoritative reference and input builder live on the scoring server;
editing this copy changes nothing except your own understanding.
"""

import jax, jax.numpy as jnp
import numpy as np

N_NODES = 10000
D_IN = 128
D_OUT = 128
NUM_REL = 2
E = 320000

def setup_inputs(seed: int = 0) -> dict:
    key = jax.random.key(seed)
    k_x, k_e, k_w, k_b, k_ws, k_bs = jax.random.split(key, 6)
    x = jax.random.normal(k_x, (N_NODES, D_IN), dtype=jnp.float32)
    edge_indices = jax.random.randint(k_e, (NUM_REL, 2, E), 0, N_NODES, dtype=jnp.int64)
    # per-relation Linear weights, torch convention: W[out, in], y = x @ W.T + b
    W = jax.random.normal(k_w, (NUM_REL, D_OUT, D_IN), dtype=jnp.float32) * (1.0 / np.sqrt(D_IN))
    b = jax.random.normal(k_b, (NUM_REL, D_OUT), dtype=jnp.float32) * 0.01
    W_self = jax.random.normal(k_ws, (D_OUT, D_IN), dtype=jnp.float32) * (1.0 / np.sqrt(D_IN))
    b_self = jax.random.normal(k_bs, (D_OUT,), dtype=jnp.float32) * 0.01
    return {"x": x, "edge_indices": edge_indices, "W": W, "b": b, "W_self": W_self, "b_self": b_self}

def reference(x, edge_indices, W, b, W_self, b_self):
    num_relations = W.shape[0]
    n = x.shape[0]
    d_out = W.shape[1]
    agg = jnp.zeros((n, d_out), dtype=x.dtype)
    for i in range(num_relations):
        edge_index = edge_indices[i]
        source = edge_index[0]
        target = edge_index[1]
        messages = x[source] @ W[i].T + b[i]
        agg_per_rel = jnp.zeros((n, d_out), dtype=messages.dtype).at[target].add(messages)
        agg = agg + agg_per_rel
    # self loop
    agg = agg + x @ W_self.T + b_self
    return agg

if __name__ == "__main__":
    import jax
    _d = setup_inputs()
    print(jax.jit(kernel)(*tuple(_d.values())))

</pallas_src>

<mosaic_0001>
#map = affine_map<(d0, d1) -> (0, 0)>
#map1 = affine_map<(d0, d1) -> (0, 0, 0, 0, 0)>
#map2 = affine_map<(d0, d1) -> (0, 0, 0)>
module attributes {stable_mosaic.version = 14 : i64} {
  func.func @seg(%arg0: i32, %arg1: i32, %arg2: memref<10000x128xf32, #tpu.memory_space<hbm>>, %arg3: memref<2x16x25x10x80xi32, #tpu.memory_space<hbm>>, %arg4: memref<2x16x25x10x80xi32, #tpu.memory_space<hbm>>, %arg5: memref<2x10240x128xf32, #tpu.memory_space<hbm>>, %arg6: memref<2x10240x16xf32, #tpu.memory_space<hbm>>, %arg7: memref<10240x128xf32, #tpu.memory_space<vmem_shared>>, %arg8: memref<10240x16xf32, #tpu.memory_space<vmem_shared>>, %arg9: memref<10x80xi32, #tpu.memory_space<vmem>>, %arg10: memref<10x80xi32, #tpu.memory_space<vmem>>, %arg11: memref<80x128xf32, #tpu.memory_space<vmem>>, %arg12: memref<80x128xf32, #tpu.memory_space<vmem>>, %arg13: memref<80x16xf32, #tpu.memory_space<vmem>>, %arg14: memref<80x16xf32, #tpu.memory_space<vmem>>, %arg15: memref<!tpu.dma_semaphore, #tpu.memory_space<semaphore_mem>>, %arg16: memref<!tpu.dma_semaphore, #tpu.memory_space<semaphore_mem>>, %arg17: memref<!tpu.dma_semaphore, #tpu.memory_space<semaphore_mem>>) attributes {dimension_semantics = [#tpu.dimension_semantics<core_parallel>, #tpu.dimension_semantics<subcore_parallel>], iteration_bounds = array<i64: 2, 16>, scalar_prefetch = 0 : i64, scratch_operands = 11 : i64, tpu.core_type = #tpu.core_type<sc_vector_subcore>, window_params = [{transform_indices = #map}, {transform_indices = #map1}, {transform_indices = #map1}, {transform_indices = #map2}, {transform_indices = #map2}]} {
    %mul3A = arith.constant 640 : i32
    %mul3A_0 = arith.muli %arg1, %mul3A : i32
    %broadcast_in_dim3A = arith.constant 1.000000e+00 : f32
    %broadcast_in_dim3A_1 = vector.broadcast %broadcast_in_dim3A : f32 to vector<16xf32>
    %broadcast_in_dim3A_2 = arith.constant 0.000000e+00 : f32
    %broadcast_in_dim3A_3 = vector.broadcast %broadcast_in_dim3A_2 : f32 to vector<16xf32>
    %scan3A = arith.constant 0 : i32
    %scan3A_4 = arith.constant 80 : i32
    %scan3A_5 = arith.addi %scan3A, %scan3A_4 : i32
    %scan3A_6 = arith.constant 1 : i32
    scf.for %scan3A_29 = %scan3A to %scan3A_5 step %scan3A_6  : i32 {
      %mul3A_30 = arith.constant 1 : i32
      %mul3A_31 = arith.muli %scan3A_29, %mul3A_30 : i32
      %add3A = arith.constant 0 : i32
      %add3A_32 = arith.addi %add3A, %mul3A_31 : i32
      %swap3A = arith.index_cast %add3A_32 : i32 to index
      %swap3A_33 = arith.constant 0 : index
      %swap3A_34 = tpu.vector_load %arg13[%swap3A, %swap3A_33] {strides = array<i32>} : memref<80x16xf32, #tpu.memory_space<vmem>>, vector<1x16xf32>,
      %swap3A_35 = vector.shape_cast %swap3A_34 : vector<1x16xf32> to vector<16xf32>
      %swap3A_36 = vector.shape_cast %broadcast_in_dim3A_1 : vector<16xf32> to vector<1x16xf32>
      tpu.vector_store %arg13[%swap3A, %swap3A_33], %swap3A_36 {strides = array<i32>} : memref<80x16xf32, #tpu.memory_space<vmem>>, vector<1x16xf32>,
      %swap3A_37 = arith.index_cast %add3A_32 : i32 to index
      %swap3A_38 = arith.constant 0 : index
      %swap3A_39 = tpu.vector_load %arg11[%swap3A_37, %swap3A_38] {strides = array<i32>} : memref<80x128xf32, #tpu.memory_space<vmem>>, vector<1x16xf32>,
      %swap3A_40 = vector.shape_cast %swap3A_39 : vector<1x16xf32> to vector<16xf32>
      %swap3A_41 = vector.shape_cast %broadcast_in_dim3A_3 : vector<16xf32> to vector<1x16xf32>
      tpu.vector_store %arg11[%swap3A_37, %swap3A_38], %swap3A_41 {strides = array<i32>} : memref<80x128xf32, #tpu.memory_space<vmem>>, vector<1x16xf32>,
      %swap3A_42 = arith.index_cast %add3A_32 : i32 to index
      %swap3A_43 = arith.constant 16 : index
      %swap3A_44 = tpu.vector_load %arg11[%swap3A_42, %swap3A_43] {strides = array<i32>} : memref<80x128xf32, #tpu.memory_space<vmem>>, vector<1x16xf32>,
      %swap3A_45 = vector.shape_cast %swap3A_44 : vector<1x16xf32> to vector<16xf32>
      %swap3A_46 = vector.shape_cast %broadcast_in_dim3A_3 : vector<16xf32> to vector<1x16xf32>
      tpu.vector_store %arg11[%swap3A_42, %swap3A_43], %swap3A_46 {strides = array<i32>} : memref<80x128xf32, #tpu.memory_space<vmem>>, vector<1x16xf32>,
      %swap3A_47 = arith.index_cast %add3A_32 : i32 to index
      %swap3A_48 = arith.constant 32 : index
      %swap3A_49 = tpu.vector_load %arg11[%swap3A_47, %swap3A_48] {strides = array<i32>} : memref<80x128xf32, #tpu.memory_space<vmem>>, vector<1x16xf32>,
      %swap3A_50 = vector.shape_cast %swap3A_49 : vector<1x16xf32> to vector<16xf32>
      %swap3A_51 = vector.shape_cast %broadcast_in_dim3A_3 : vector<16xf32> to vector<1x16xf32>
      tpu.vector_store %arg11[%swap3A_47, %swap3A_48], %swap3A_51 {strides = array<i32>} : memref<80x128xf32, #tpu.memory_space<vmem>>, vector<1x16xf32>,
      %swap3A_52 = arith.index_cast %add3A_32 : i32 to index
      %swap3A_53 = arith.constant 48 : index
      %swap3A_54 = tpu.vector_load %arg11[%swap3A_52, %swap3A_53] {strides = array<i32>} : memref<80x128xf32, #tpu.memory_space<vmem>>, vector<1x16xf32>,
      %swap3A_55 = vector.shape_cast %swap3A_54 : vector<1x16xf32> to vector<16xf32>
      %swap3A_56 = vector.shape_cast %broadcast_in_dim3A_3 : vector<16xf32> to vector<1x16xf32>
      tpu.vector_store %arg11[%swap3A_52, %swap3A_53], %swap3A_56 {strides = array<i32>} : memref<80x128xf32, #tpu.memory_space<vmem>>, vector<1x16xf32>,
      %swap3A_57 = arith.index_cast %add3A_32 : i32 to index
      %swap3A_58 = arith.constant 64 : index
      %swap3A_59 = tpu.vector_load %arg11[%swap3A_57, %swap3A_58] {strides = array<i32>} : memref<80x128xf32, #tpu.memory_space<vmem>>, vector<1x16xf32>,
      %swap3A_60 = vector.shape_cast %swap3A_59 : vector<1x16xf32> to vector<16xf32>
      %swap3A_61 = vector.shape_cast %broadcast_in_dim3A_3 : vector<16xf32> to vector<1x16xf32>
      tpu.vector_store %arg11[%swap3A_57, %swap3A_58], %swap3A_61 {strides = array<i32>} : memref<80x128xf32, #tpu.memory_space<vmem>>, vector<1x16xf32>,
      %swap3A_62 = arith.index_cast %add3A_32 : i32 to index
      %swap3A_63 = arith.constant 80 : index
      %swap3A_64 = tpu.vector_load %arg11[%swap3A_62, %swap3A_63] {strides = array<i32>} : memref<80x128xf32, #tpu.memory_space<vmem>>, vector<1x16xf32>,
      %swap3A_65 = vector.shape_cast %swap3A_64 : vector<1x16xf32> to vector<16xf32>
      %swap3A_66 = vector.shape_cast %broadcast_in_dim3A_3 : vector<16xf32> to vector<1x16xf32>
      tpu.vector_store %arg11[%swap3A_62, %swap3A_63], %swap3A_66 {strides = array<i32>} : memref<80x128xf32, #tpu.memory_space<vmem>>, vector<1x16xf32>,
      %swap3A_67 = arith.index_cast %add3A_32 : i32 to index
      %swap3A_68 = arith.constant 96 : index
      %swap3A_69 = tpu.vector_load %arg11[%swap3A_67, %swap3A_68] {strides = array<i32>} : memref<80x128xf32, #tpu.memory_space<vmem>>, vector<1x16xf32>,
      %swap3A_70 = vector.shape_cast %swap3A_69 : vector<1x16xf32> to vector<16xf32>
      %swap3A_71 = vector.shape_cast %broadcast_in_dim3A_3 : vector<16xf32> to vector<1x16xf32>
      tpu.vector_store %arg11[%swap3A_67, %swap3A_68], %swap3A_71 {strides = array<i32>} : memref<80x128xf32, #tpu.memory_space<vmem>>, vector<1x16xf32>,
      %swap3A_72 = arith.index_cast %add3A_32 : i32 to index
      %swap3A_73 = arith.constant 112 : index
      %swap3A_74 = tpu.vector_load %arg11[%swap3A_72, %swap3A_73] {strides = array<i32>} : memref<80x128xf32, #tpu.memory_space<vmem>>, vector<1x16xf32>,
      %swap3A_75 = vector.shape_cast %swap3A_74 : vector<1x16xf32> to vector<16xf32>
      %swap3A_76 = vector.shape_cast %broadcast_in_dim3A_3 : vector<16xf32> to vector<1x16xf32>
      tpu.vector_store %arg11[%swap3A_72, %swap3A_73], %swap3A_76 {strides = array<i32>} : memref<80x128xf32, #tpu.memory_space<vmem>>, vector<1x16xf32>,
    }
    %scan3A_7 = arith.constant 80 : i32
    %scan3A_8 = arith.constant 0 : i32
    %scan3A_9 = arith.constant 80 : i32
    %scan3A_10 = arith.addi %scan3A_8, %scan3A_9 : i32
    %scan3A_11 = arith.constant 1 : i32
    scf.for %scan3A_29 = %scan3A_8 to %scan3A_10 step %scan3A_11  : i32 {
      %mul3A_30 = arith.constant 1 : i32
      %mul3A_31 = arith.muli %scan3A_29, %mul3A_30 : i32
      %add3A = arith.constant 0 : i32
      %add3A_32 = arith.addi %add3A, %mul3A_31 : i32
      %swap3A = arith.index_cast %add3A_32 : i32 to index
      %swap3A_33 = arith.constant 0 : index
      %swap3A_34 = tpu.vector_load %arg14[%swap3A, %swap3A_33] {strides = array<i32>} : memref<80x16xf32, #tpu.memory_space<vmem>>, vector<1x16xf32>,
      %swap3A_35 = vector.shape_cast %swap3A_34 : vector<1x16xf32> to vector<16xf32>
      %swap3A_36 = vector.shape_cast %broadcast_in_dim3A_3 : vector<16xf32> to vector<1x16xf32>
      tpu.vector_store %arg14[%swap3A, %swap3A_33], %swap3A_36 {strides = array<i32>} : memref<80x16xf32, #tpu.memory_space<vmem>>, vector<1x16xf32>,
    }
    %scan3A_12 = arith.constant 80 : i32
    %scan3A_13 = arith.constant 0 : i32
    %scan3A_14 = arith.constant 8 : i32
    %scan3A_15 = arith.addi %scan3A_13, %scan3A_14 : i32
    %scan3A_16 = arith.constant 1 : i32
    scf.for %scan3A_29 = %scan3A_13 to %scan3A_15 step %scan3A_16  : i32 {
      %mul3A_30 = arith.constant 1 : i32
      %mul3A_31 = arith.muli %scan3A_29, %mul3A_30 : i32
      %add3A = arith.constant 0 : i32
      %add3A_32 = arith.addi %add3A, %mul3A_31 : i32
      %mul3A_33 = arith.constant 80 : i32
      %mul3A_34 = arith.muli %add3A_32, %mul3A_33 : i32
      %add3A_35 = arith.addi %mul3A_0, %mul3A_34 : i32
      "tpu.region"() ({
        %run_scoped3A = tpu.sem_alloc : memref<!tpu.dma_semaphore, #tpu.memory_space<semaphore_mem>>
        %dma_start3A = arith.constant 0 : i32
        %dma_start3A_39 = arith.constant 0 : i32
        %dma_start3A_40 = tpu.memref_slice %arg11[%dma_start3A, %dma_start3A_39] : memref<80x128xf32, #tpu.memory_space<vmem>> -> memref<80x128xf32, #tpu.memory_space<vmem>>
        %dma_start3A_41 = arith.constant 0 : i32
        %dma_start3A_42 = tpu.memref_slice %arg7[%add3A_35, %dma_start3A_41] : memref<10240x128xf32, #tpu.memory_space<vmem_shared>> -> memref<80x128xf32, #tpu.memory_space<vmem_shared>>
        %dma_start3A_43 = arith.constant 0 : i32
        %dma_start3A_44 = tpu.memref_slice %arg7[%add3A_35, %dma_start3A_43] : memref<10240x128xf32, #tpu.memory_space<vmem_shared>> -> memref<80x128xf32, #tpu.memory_space<vmem_shared>>
        %dma_start3A_45 = arith.constant 0 : i32
        %dma_start3A_46 = arith.constant 0 : i32
        %dma_start3A_47 = tpu.memref_slice %arg11[%dma_start3A_45, %dma_start3A_46] : memref<80x128xf32, #tpu.memory_space<vmem>> -> memref<80x128xf32, #tpu.memory_space<vmem>>
        tpu.enqueue_dma source(%dma_start3A_47 : memref<80x128xf32, #tpu.memory_space<vmem>>) target(%dma_start3A_44 : memref<80x128xf32, #tpu.memory_space<vmem_shared>>) target_semaphore(%run_scoped3A : memref<!tpu.dma_semaphore, #tpu.memory_space<semaphore_mem>>)
        %dma_wait3A = arith.constant 0 : i32
        %dma_wait3A_48 = arith.constant 0 : i32
        %dma_wait3A_49 = tpu.memref_slice %arg11[%dma_wait3A, %dma_wait3A_48] : memref<80x128xf32, #tpu.memory_space<vmem>> -> memref<80x128xf32, #tpu.memory_space<vmem>>
        %dma_wait3A_50 = arith.constant 0 : i32
        %dma_wait3A_51 = tpu.memref_slice %arg7[%add3A_35, %dma_wait3A_50] : memref<10240x128xf32, #tpu.memory_space<vmem_shared>> -> memref<80x128xf32, #tpu.memory_space<vmem_shared>>
        %dma_wait3A_52 = arith.constant 0 : i32
        %dma_wait3A_53 = tpu.memref_slice %arg7[%add3A_35, %dma_wait3A_52] : memref<10240x128xf32, #tpu.memory_space<vmem_shared>> -> memref<80x128xf32, #tpu.memory_space<vmem_shared>>
        %dma_wait3A_54 = arith.constant 0 : i32
        %dma_wait3A_55 = arith.constant 0 : i32
        %dma_wait3A_56 = tpu.memref_slice %arg11[%dma_wait3A_54, %dma_wait3A_55] : memref<80x128xf32, #tpu.memory_space<vmem>> -> memref<80x128xf32, #tpu.memory_space<vmem>>
        tpu.wait_dma2 semaphore(%run_scoped3A : memref<!tpu.dma_semaphore, #tpu.memory_space<semaphore_mem>>) src(%dma_wait3A_56 : memref<80x128xf32, #tpu.memory_space<vmem>>) dst(%dma_wait3A_53 : memref<80x128xf32, #tpu.memory_space<vmem_shared>>)
        tpu.yield
      }) : () -> ()
      %mul3A_36 = arith.constant 80 : i32
      %mul3A_37 = arith.muli %add3A_32, %mul3A_36 : i32
      %add3A_38 = arith.addi %mul3A_0, %mul3A_37 : i32
      "tpu.region"() ({
        %run_scoped3A = tpu.sem_alloc : memref<!tpu.dma_semaphore, #tpu.memory_space<semaphore_mem>>
        %dma_start3A = arith.constant 0 : i32
        %dma_start3A_39 = tpu.memref_slice %arg8[%add3A_38, %dma_start3A] : memref<10240x16xf32, #tpu.memory_space<vmem_shared>> -> memref<80x16xf32, #tpu.memory_space<vmem_shared>>
        %dma_start3A_40 = arith.constant 0 : i32
        %dma_start3A_41 = tpu.memref_slice %arg8[%add3A_38, %dma_start3A_40] : memref<10240x16xf32, #tpu.memory_space<vmem_shared>> -> memref<80x16xf32, #tpu.memory_space<vmem_shared>>
        tpu.enqueue_dma source(%arg14 : memref<80x16xf32, #tpu.memory_space<vmem>>) target(%dma_start3A_41 : memref<80x16xf32, #tpu.memory_space<vmem_shared>>) target_semaphore(%run_scoped3A : memref<!tpu.dma_semaphore, #tpu.memory_space<semaphore_mem>>)
        %dma_wait3A = arith.constant 0 : i32
        %dma_wait3A_42 = tpu.memref_slice %arg8[%add3A_38, %dma_wait3A] : memref<10240x16xf32, #tpu.memory_space<vmem_shared>> -> memref<80x16xf32, #tpu.memory_space<vmem_shared>>
        %dma_wait3A_43 = arith.constant 0 : i32
        %dma_wait3A_44 = tpu.memref_slice %arg8[%add3A_38, %dma_wait3A_43] : memref<10240x16xf32, #tpu.memory_space<vmem_shared>> -> memref<80x16xf32, #tpu.memory_space<vmem_shared>>
        tpu.wait_dma2 semaphore(%run_scoped3A : memref<!tpu.dma_semaphore, #tpu.memory_space<semaphore_mem>>) src(%arg14 : memref<80x16xf32, #tpu.memory_space<vmem>>) dst(%dma_wait3A_44 : memref<80x16xf32, #tpu.memory_space<vmem_shared>>)
        tpu.yield
      }) : () -> ()
    }
    %scan3A_17 = arith.constant 8 : i32
    %barrier3A = arith.constant 0 : index
    tpu.barrier barrier_id(%barrier3A)
    %scan3A_18 = arith.constant 0 : i32
    %scan3A_19 = arith.constant 25 : i32
    %scan3A_20 = arith.addi %scan3A_18, %scan3A_19 : i32
    %scan3A_21 = arith.constant 1 : i32
    scf.for %scan3A_29 = %scan3A_18 to %scan3A_20 step %scan3A_21  : i32 {
      %mul3A_30 = arith.constant 1 : i32
      %mul3A_31 = arith.muli %scan3A_29, %mul3A_30 : i32
      %add3A = arith.constant 0 : i32
      %add3A_32 = arith.addi %add3A, %mul3A_31 : i32
      "tpu.region"() ({
        %run_scoped3A_320 = tpu.sem_alloc : memref<!tpu.dma_semaphore, #tpu.memory_space<semaphore_mem>>
        %dma_start3A_321 = arith.constant 0 : i32
        %dma_start3A_322 = arith.constant 0 : i32
        %dma_start3A_323 = tpu.memref_slice %arg3[%arg0, %arg1, %add3A_32, %dma_start3A_321, %dma_start3A_322] : memref<2x16x25x10x80xi32, #tpu.memory_space<hbm>> -> memref<1x1x1x10x80xi32, #tpu.memory_space<hbm>>
        %dma_start3A_324 = tpu.memref_squeeze %dma_start3A_323 : memref<1x1x1x10x80xi32, #tpu.memory_space<hbm>> -> memref<10x80xi32, #tpu.memory_space<hbm>>
        %dma_start3A_325 = arith.constant 0 : i32
        %dma_start3A_326 = arith.constant 0 : i32
        %dma_start3A_327 = tpu.memref_slice %arg3[%arg0, %arg1, %add3A_32, %dma_start3A_325, %dma_start3A_326] : memref<2x16x25x10x80xi32, #tpu.memory_space<hbm>> -> memref<1x1x1x10x80xi32, #tpu.memory_space<hbm>>
        %dma_start3A_328 = tpu.memref_squeeze %dma_start3A_327 : memref<1x1x1x10x80xi32, #tpu.memory_space<hbm>> -> memref<10x80xi32, #tpu.memory_space<hbm>>
        tpu.enqueue_dma source(%dma_start3A_328 : memref<10x80xi32, #tpu.memory_space<hbm>>) target(%arg9 : memref<10x80xi32, #tpu.memory_space<vmem>>) target_semaphore(%run_scoped3A_320 : memref<!tpu.dma_semaphore, #tpu.memory_space<semaphore_mem>>)
        %dma_wait3A_329 = arith.constant 0 : i32
        %dma_wait3A_330 = arith.constant 0 : i32
        %dma_wait3A_331 = tpu.memref_slice %arg3[%arg0, %arg1, %add3A_32, %dma_wait3A_329, %dma_wait3A_330] : memref<2x16x25x10x80xi32, #tpu.memory_space<hbm>> -> memref<1x1x1x10x80xi32, #tpu.memory_space<hbm>>
        %dma_wait3A_332 = tpu.memref_squeeze %dma_wait3A_331 : memref<1x1x1x10x80xi32, #tpu.memory_space<hbm>> -> memref<10x80xi32, #tpu.memory_space<hbm>>
        %dma_wait3A_333 = arith.constant 0 : i32
        %dma_wait3A_334 = arith.constant 0 : i32
        %dma_wait3A_335 = tpu.memref_slice %arg3[%arg0, %arg1, %add3A_32, %dma_wait3A_333, %dma_wait3A_334] : memref<2x16x25x10x80xi32, #tpu.memory_space<hbm>> -> memref<1x1x1x10x80xi32, #tpu.memory_space<hbm>>
        %dma_wait3A_336 = tpu.memref_squeeze %dma_wait3A_335 : memref<1x1x1x10x80xi32, #tpu.memory_space<hbm>> -> memref<10x80xi32, #tpu.memory_space<hbm>>
        tpu.wait_dma2 semaphore(%run_scoped3A_320 : memref<!tpu.dma_semaphore, #tpu.memory_space<semaphore_mem>>) src(%dma_wait3A_336 : memref<10x80xi32, #tpu.memory_space<hbm>>) dst(%arg9 : memref<10x80xi32, #tpu.memory_space<vmem>>)
        tpu.yield
      }) : () -> ()
      "tpu.region"() ({
        %run_scoped3A_320 = tpu.sem_alloc : memref<!tpu.dma_semaphore, #tpu.memory_space<semaphore_mem>>
        %dma_start3A_321 = arith.constant 0 : i32
        %dma_start3A_322 = arith.constant 0 : i32
        %dma_start3A_323 = tpu.memref_slice %arg4[%arg0, %arg1, %add3A_32, %dma_start3A_321, %dma_start3A_322] : memref<2x16x25x10x80xi32, #tpu.memory_space<hbm>> -> memref<1x1x1x10x80xi32, #tpu.memory_space<hbm>>
        %dma_start3A_324 = tpu.memref_squeeze %dma_start3A_323 : memref<1x1x1x10x80xi32, #tpu.memory_space<hbm>> -> memref<10x80xi32, #tpu.memory_space<hbm>>
        %dma_start3A_325 = arith.constant 0 : i32
        %dma_start3A_326 = arith.constant 0 : i32
        %dma_start3A_327 = tpu.memref_slice %arg4[%arg0, %arg1, %add3A_32, %dma_start3A_325, %dma_start3A_326] : memref<2x16x25x10x80xi32, #tpu.memory_space<hbm>> -> memref<1x1x1x10x80xi32, #tpu.memory_space<hbm>>
        %dma_start3A_328 = tpu.memref_squeeze %dma_start3A_327 : memref<1x1x1x10x80xi32, #tpu.memory_space<hbm>> -> memref<10x80xi32, #tpu.memory_space<hbm>>
        tpu.enqueue_dma source(%dma_start3A_328 : memref<10x80xi32, #tpu.memory_space<hbm>>) target(%arg10 : memref<10x80xi32, #tpu.memory_space<vmem>>) target_semaphore(%run_scoped3A_320 : memref<!tpu.dma_semaphore, #tpu.memory_space<semaphore_mem>>)
        %dma_wait3A_329 = arith.constant 0 : i32
        %dma_wait3A_330 = arith.constant 0 : i32
        %dma_wait3A_331 = tpu.memref_slice %arg4[%arg0, %arg1, %add3A_32, %dma_wait3A_329, %dma_wait3A_330] : memref<2x16x25x10x80xi32, #tpu.memory_space<hbm>> -> memref<1x1x1x10x80xi32, #tpu.memory_space<hbm>>
        %dma_wait3A_332 = tpu.memref_squeeze %dma_wait3A_331 : memref<1x1x1x10x80xi32, #tpu.memory_space<hbm>> -> memref<10x80xi32, #tpu.memory_space<hbm>>
        %dma_wait3A_333 = arith.constant 0 : i32
        %dma_wait3A_334 = arith.constant 0 : i32
        %dma_wait3A_335 = tpu.memref_slice %arg4[%arg0, %arg1, %add3A_32, %dma_wait3A_333, %dma_wait3A_334] : memref<2x16x25x10x80xi32, #tpu.memory_space<hbm>> -> memref<1x1x1x10x80xi32, #tpu.memory_space<hbm>>
        %dma_wait3A_336 = tpu.memref_squeeze %dma_wait3A_335 : memref<1x1x1x10x80xi32, #tpu.memory_space<hbm>> -> memref<10x80xi32, #tpu.memory_space<hbm>>
        tpu.wait_dma2 semaphore(%run_scoped3A_320 : memref<!tpu.dma_semaphore, #tpu.memory_space<semaphore_mem>>) src(%dma_wait3A_336 : memref<10x80xi32, #tpu.memory_space<hbm>>) dst(%arg10 : memref<10x80xi32, #tpu.memory_space<vmem>>)
        tpu.yield
      }) : () -> ()
      %dma_start3A = arith.constant 0 : i32
      %dma_start3A_33 = arith.constant 0 : i32
      %dma_start3A_34 = tpu.memref_slice %arg10[%dma_start3A, %dma_start3A_33] : memref<10x80xi32, #tpu.memory_space<vmem>> -> memref<1x80xi32, #tpu.memory_space<vmem>>
      %dma_start3A_35 = tpu.memref_squeeze %dma_start3A_34 : memref<1x80xi32, #tpu.memory_space<vmem>> -> memref<80xi32, #tpu.memory_space<vmem>>
      %dma_start3A_36 = arith.constant 0 : i32
      %dma_start3A_37 = arith.constant 0 : i32
      %dma_start3A_38 = tpu.memref_slice %arg8[%dma_start3A_36, %dma_start3A_37] : memref<10240x16xf32, #tpu.memory_space<vmem_shared>> -> memref<10240x16xf32, #tpu.memory_space<vmem_shared>>
      tpu.enqueue_indirect_dma source(%arg13 : memref<80x16xf32, #tpu.memory_space<vmem>>) target(%dma_start3A_38 : memref<10240x16xf32, #tpu.memory_space<vmem_shared>>) offsets(%dma_start3A_35 : memref<80xi32, #tpu.memory_space<vmem>>) semaphore(%arg17 : memref<!tpu.dma_semaphore, #tpu.memory_space<semaphore_mem>>) {add = true}
      %dma_start3A_39 = arith.constant 1 : i32
      %dma_start3A_40 = arith.constant 0 : i32
      %dma_start3A_41 = tpu.memref_slice %arg10[%dma_start3A_39, %dma_start3A_40] : memref<10x80xi32, #tpu.memory_space<vmem>> -> memref<1x80xi32, #tpu.memory_space<vmem>>
      %dma_start3A_42 = tpu.memref_squeeze %dma_start3A_41 : memref<1x80xi32, #tpu.memory_space<vmem>> -> memref<80xi32, #tpu.memory_space<vmem>>
      %dma_start3A_43 = arith.constant 0 : i32
      %dma_start3A_44 = arith.constant 0 : i32
      %dma_start3A_45 = tpu.memref_slice %arg8[%dma_start3A_43, %dma_start3A_44] : memref<10240x16xf32, #tpu.memory_space<vmem_shared>> -> memref<10240x16xf32, #tpu.memory_space<vmem_shared>>
      tpu.enqueue_indirect_dma source(%arg13 : memref<80x16xf32, #tpu.memory_space<vmem>>) target(%dma_start3A_45 : memref<10240x16xf32, #tpu.memory_space<vmem_shared>>) offsets(%dma_start3A_42 : memref<80xi32, #tpu.memory_space<vmem>>) semaphore(%arg17 : memref<!tpu.dma_semaphore, #tpu.memory_space<semaphore_mem>>) {add = true}
      %dma_start3A_46 = arith.constant 2 : i32
      %dma_start3A_47 = arith.constant 0 : i32
      %dma_start3A_48 = tpu.memref_slice %arg10[%dma_start3A_46, %dma_start3A_47] : memref<10x80xi32, #tpu.memory_space<vmem>> -> memref<1x80xi32, #tpu.memory_space<vmem>>
      %dma_start3A_49 = tpu.memref_squeeze %dma_start3A_48 : memref<1x80xi32, #tpu.memory_space<vmem>> -> memref<80xi32, #tpu.memory_space<vmem>>
      %dma_start3A_50 = arith.constant 0 : i32
      %dma_start3A_51 = arith.constant 0 : i32
      %dma_start3A_52 = tpu.memref_slice %arg8[%dma_start3A_50, %dma_start3A_51] : memref<10240x16xf32, #tpu.memory_space<vmem_shared>> -> memref<10240x16xf32, #tpu.memory_space<vmem_shared>>
      tpu.enqueue_indirect_dma source(%arg13 : memref<80x16xf32, #tpu.memory_space<vmem>>) target(%dma_start3A_52 : memref<10240x16xf32, #tpu.memory_space<vmem_shared>>) offsets(%dma_start3A_49 : memref<80xi32, #tpu.memory_space<vmem>>) semaphore(%arg17 : memref<!tpu.dma_semaphore, #tpu.memory_space<semaphore_mem>>) {add = true}
      %dma_start3A_53 = arith.constant 3 : i32
      %dma_start3A_54 = arith.constant 0 : i32
      %dma_start3A_55 = tpu.memref_slice %arg10[%dma_start3A_53, %dma_start3A_54] : memref<10x80xi32, #tpu.memory_space<vmem>> -> memref<1x80xi32, #tpu.memory_space<vmem>>
      %dma_start3A_56 = tpu.memref_squeeze %dma_start3A_55 : memref<1x80xi32, #tpu.memory_space<vmem>> -> memref<80xi32, #tpu.memory_space<vmem>>
      %dma_start3A_57 = arith.constant 0 : i32
      %dma_start3A_58 = arith.constant 0 : i32
      %dma_start3A_59 = tpu.memref_slice %arg8[%dma_start3A_57, %dma_start3A_58] : memref<10240x16xf32, #tpu.memory_space<vmem_shared>> -> memref<10240x16xf32, #tpu.memory_space<vmem_shared>>
      tpu.enqueue_indirect_dma source(%arg13 : memref<80x16xf32, #tpu.memory_space<vmem>>) target(%dma_start3A_59 : memref<10240x16xf32, #tpu.memory_space<vmem_shared>>) offsets(%dma_start3A_56 : memref<80xi32, #tpu.memory_space<vmem>>) semaphore(%arg17 : memref<!tpu.dma_semaphore, #tpu.memory_space<semaphore_mem>>) {add = true}
      %dma_start3A_60 = arith.constant 4 : i32
      %dma_start3A_61 = arith.constant 0 : i32
      %dma_start3A_62 = tpu.memref_slice %arg10[%dma_start3A_60, %dma_start3A_61] : memref<10x80xi32, #tpu.memory_space<vmem>> -> memref<1x80xi32, #tpu.memory_space<vmem>>
      %dma_start3A_63 = tpu.memref_squeeze %dma_start3A_62 : memref<1x80xi32, #tpu.memory_space<vmem>> -> memref<80xi32, #tpu.memory_space<vmem>>
      %dma_start3A_64 = arith.constant 0 : i32
      %dma_start3A_65 = arith.constant 0 : i32
      %dma_start3A_66 = tpu.memref_slice %arg8[%dma_start3A_64, %dma_start3A_65] : memref<10240x16xf32, #tpu.memory_space<vmem_shared>> -> memref<10240x16xf32, #tpu.memory_space<vmem_shared>>
      tpu.enqueue_indirect_dma source(%arg13 : memref<80x16xf32, #tpu.memory_space<vmem>>) target(%dma_start3A_66 : memref<10240x16xf32, #tpu.memory_space<vmem_shared>>) offsets(%dma_start3A_63 : memref<80xi32, #tpu.memory_space<vmem>>) semaphore(%arg17 : memref<!tpu.dma_semaphore, #tpu.memory_space<semaphore_mem>>) {add = true}
      %dma_start3A_67 = arith.constant 5 : i32
      %dma_start3A_68 = arith.constant 0 : i32
      %dma_start3A_69 = tpu.memref_slice %arg10[%dma_start3A_67, %dma_start3A_68] : memref<10x80xi32, #tpu.memory_space<vmem>> -> memref<1x80xi32, #tpu.memory_space<vmem>>
      %dma_start3A_70 = tpu.memref_squeeze %dma_start3A_69 : memref<1x80xi32, #tpu.memory_space<vmem>> -> memref<80xi32, #tpu.memory_space<vmem>>
      %dma_start3A_71 = arith.constant 0 : i32
      %dma_start3A_72 = arith.constant 0 : i32
      %dma_start3A_73 = tpu.memref_slice %arg8[%dma_start3A_71, %dma_start3A_72] : memref<10240x16xf32, #tpu.memory_space<vmem_shared>> -> memref<10240x16xf32, #tpu.memory_space<vmem_shared>>
      tpu.enqueue_indirect_dma source(%arg13 : memref<80x16xf32, #tpu.memory_space<vmem>>) target(%dma_start3A_73 : memref<10240x16xf32, #tpu.memory_space<vmem_shared>>) offsets(%dma_start3A_70 : memref<80xi32, #tpu.memory_space<vmem>>) semaphore(%arg17 : memref<!tpu.dma_semaphore, #tpu.memory_space<semaphore_mem>>) {add = true}
      %dma_start3A_74 = arith.constant 6 : i32
      %dma_start3A_75 = arith.constant 0 : i32
      %dma_start3A_76 = tpu.memref_slice %arg10[%dma_start3A_74, %dma_start3A_75] : memref<10x80xi32, #tpu.memory_space<vmem>> -> memref<1x80xi32, #tpu.memory_space<vmem>>
      %dma_start3A_77 = tpu.memref_squeeze %dma_start3A_76 : memref<1x80xi32, #tpu.memory_space<vmem>> -> memref<80xi32, #tpu.memory_space<vmem>>
      %dma_start3A_78 = arith.constant 0 : i32
      %dma_start3A_79 = arith.constant 0 : i32
      %dma_start3A_80 = tpu.memref_slice %arg8[%dma_start3A_78, %dma_start3A_79] : memref<10240x16xf32, #tpu.memory_space<vmem_shared>> -> memref<10240x16xf32, #tpu.memory_space<vmem_shared>>
      tpu.enqueue_indirect_dma source(%arg13 : memref<80x16xf32, #tpu.memory_space<vmem>>) target(%dma_start3A_80 : memref<10240x16xf32, #tpu.memory_space<vmem_shared>>) offsets(%dma_start3A_77 : memref<80xi32, #tpu.memory_space<vmem>>) semaphore(%arg17 : memref<!tpu.dma_semaphore, #tpu.memory_space<semaphore_mem>>) {add = true}
      %dma_start3A_81 = arith.constant 7 : i32
      %dma_start3A_82 = arith.constant 0 : i32
      %dma_start3A_83 = tpu.memref_slice %arg10[%dma_start3A_81, %dma_start3A_82] : memref<10x80xi32, #tpu.memory_space<vmem>> -> memref<1x80xi32, #tpu.memory_space<vmem>>
      %dma_start3A_84 = tpu.memref_squeeze %dma_start3A_83 : memref<1x80xi32, #tpu.memory_space<vmem>> -> memref<80xi32, #tpu.memory_space<vmem>>
      %dma_start3A_85 = arith.constant 0 : i32
      %dma_start3A_86 = arith.constant 0 : i32
      %dma_start3A_87 = tpu.memref_slice %arg8[%dma_start3A_85, %dma_start3A_86] : memref<10240x16xf32, #tpu.memory_space<vmem_shared>> -> memref<10240x16xf32, #tpu.memory_space<vmem_shared>>
      tpu.enqueue_indirect_dma source(%arg13 : memref<80x16xf32, #tpu.memory_space<vmem>>) target(%dma_start3A_87 : memref<10240x16xf32, #tpu.memory_space<vmem_shared>>) offsets(%dma_start3A_84 : memref<80xi32, #tpu.memory_space<vmem>>) semaphore(%arg17 : memref<!tpu.dma_semaphore, #tpu.memory_space<semaphore_mem>>) {add = true}
      %dma_start3A_88 = arith.constant 8 : i32
      %dma_start3A_89 = arith.constant 0 : i32
      %dma_start3A_90 = tpu.memref_slice %arg10[%dma_start3A_88, %dma_start3A_89] : memref<10x80xi32, #tpu.memory_space<vmem>> -> memref<1x80xi32, #tpu.memory_space<vmem>>
      %dma_start3A_91 = tpu.memref_squeeze %dma_start3A_90 : memref<1x80xi32, #tpu.memory_space<vmem>> -> memref<80xi32, #tpu.memory_space<vmem>>
      %dma_start3A_92 = arith.constant 0 : i32
      %dma_start3A_93 = arith.constant 0 : i32
      %dma_start3A_94 = tpu.memref_slice %arg8[%dma_start3A_92, %dma_start3A_93] : memref<10240x16xf32, #tpu.memory_space<vmem_shared>> -> memref<10240x16xf32, #tpu.memory_space<vmem_shared>>
      tpu.enqueue_indirect_dma source(%arg13 : memref<80x16xf32, #tpu.memory_space<vmem>>) target(%dma_start3A_94 : memref<10240x16xf32, #tpu.memory_space<vmem_shared>>) offsets(%dma_start3A_91 : memref<80xi32, #tpu.memory_space<vmem>>) semaphore(%arg17 : memref<!tpu.dma_semaphore, #tpu.memory_space<semaphore_mem>>) {add = true}
      %dma_start3A_95 = arith.constant 9 : i32
      %dma_start3A_96 = arith.constant 0 : i32
      %dma_start3A_97 = tpu.memref_slice %arg10[%dma_start3A_95, %dma_start3A_96] : memref<10x80xi32, #tpu.memory_space<vmem>> -> memref<1x80xi32, #tpu.memory_space<vmem>>
      %dma_start3A_98 = tpu.memref_squeeze %dma_start3A_97 : memref<1x80xi32, #tpu.memory_space<vmem>> -> memref<80xi32, #tpu.memory_space<vmem>>
      %dma_start3A_99 = arith.constant 0 : i32
      %dma_start3A_100 = arith.constant 0 : i32
      %dma_start3A_101 = tpu.memref_slice %arg8[%dma_start3A_99, %dma_start3A_100] : memref<10240x16xf32, #tpu.memory_space<vmem_shared>> -> memref<10240x16xf32, #tpu.memory_space<vmem_shared>>
      tpu.enqueue_indirect_dma source(%arg13 : memref<80x16xf32, #tpu.memory_space<vmem>>) target(%dma_start3A_101 : memref<10240x16xf32, #tpu.memory_space<vmem_shared>>) offsets(%dma_start3A_98 : memref<80xi32, #tpu.memory_space<vmem>>) semaphore(%arg17 : memref<!tpu.dma_semaphore, #tpu.memory_space<semaphore_mem>>) {add = true}
      %dma_start3A_102 = arith.constant 0 : i32
      %dma_start3A_103 = arith.constant 0 : i32
      %dma_start3A_104 = tpu.memref_slice %arg9[%dma_start3A_102, %dma_start3A_103] : memref<10x80xi32, #tpu.memory_space<vmem>> -> memref<1x80xi32, #tpu.memory_space<vmem>>
      %dma_start3A_105 = tpu.memref_squeeze %dma_start3A_104 : memref<1x80xi32, #tpu.memory_space<vmem>> -> memref<80xi32, #tpu.memory_space<vmem>>
      %dma_start3A_106 = arith.constant 0 : i32
      %dma_start3A_107 = arith.constant 0 : i32
      %dma_start3A_108 = tpu.memref_slice %arg2[%dma_start3A_106, %dma_start3A_107] : memref<10000x128xf32, #tpu.memory_space<hbm>> -> memref<10000x128xf32, #tpu.memory_space<hbm>>
      tpu.enqueue_indirect_dma source(%dma_start3A_108 : memref<10000x128xf32, #tpu.memory_space<hbm>>) target(%arg11 : memref<80x128xf32, #tpu.memory_space<vmem>>) offsets(%dma_start3A_105 : memref<80xi32, #tpu.memory_space<vmem>>) semaphore(%arg15 : memref<!tpu.dma_semaphore, #tpu.memory_space<semaphore_mem>>)
      %dma_start3A_109 = arith.constant 1 : i32
      %dma_start3A_110 = arith.constant 0 : i32
      %dma_start3A_111 = tpu.memref_slice %arg9[%dma_start3A_109, %dma_start3A_110] : memref<10x80xi32, #tpu.memory_space<vmem>> -> memref<1x80xi32, #tpu.memory_space<vmem>>
      %dma_start3A_112 = tpu.memref_squeeze %dma_start3A_111 : memref<1x80xi32, #tpu.memory_space<vmem>> -> memref<80xi32, #tpu.memory_space<vmem>>
      %dma_start3A_113 = arith.constant 0 : i32
      %dma_start3A_114 = arith.constant 0 : i32
      %dma_start3A_115 = tpu.memref_slice %arg2[%dma_start3A_113, %dma_start3A_114] : memref<10000x128xf32, #tpu.memory_space<hbm>> -> memref<10000x128xf32, #tpu.memory_space<hbm>>
      tpu.enqueue_indirect_dma source(%dma_start3A_115 : memref<10000x128xf32, #tpu.memory_space<hbm>>) target(%arg12 : memref<80x128xf32, #tpu.memory_space<vmem>>) offsets(%dma_start3A_112 : memref<80xi32, #tpu.memory_space<vmem>>) semaphore(%arg16 : memref<!tpu.dma_semaphore, #tpu.memory_space<semaphore_mem>>)
      %dma_wait3A = arith.constant 0 : i32
      %dma_wait3A_116 = arith.constant 0 : i32
      %dma_wait3A_117 = tpu.memref_slice %arg9[%dma_wait3A, %dma_wait3A_116] : memref<10x80xi32, #tpu.memory_space<vmem>> -> memref<1x80xi32, #tpu.memory_space<vmem>>
      %dma_wait3A_118 = tpu.memref_squeeze %dma_wait3A_117 : memref<1x80xi32, #tpu.memory_space<vmem>> -> memref<80xi32, #tpu.memory_space<vmem>>
      %dma_wait3A_119 = arith.constant 0 : i32
      %dma_wait3A_120 = arith.constant 0 : i32
      %dma_wait3A_121 = tpu.memref_slice %arg2[%dma_wait3A_119, %dma_wait3A_120] : memref<10000x128xf32, #tpu.memory_space<hbm>> -> memref<10000x128xf32, #tpu.memory_space<hbm>>
      tpu.wait_indirect_dma semaphore(%arg15 : memref<!tpu.dma_semaphore, #tpu.memory_space<semaphore_mem>>) src(%dma_wait3A_121 : memref<10000x128xf32, #tpu.memory_space<hbm>>) dst(%arg11 : memref<80x128xf32, #tpu.memory_space<vmem>>)
      %run_scoped3A = arith.constant 0 : i32
      "tpu.region"() ({
        %run_scoped3A_320 = tpu.sem_alloc : memref<!tpu.dma_semaphore, #tpu.memory_space<semaphore_mem>>
        %dma_start3A_321 = arith.constant 0 : i32
        %dma_start3A_322 = tpu.memref_slice %arg10[%run_scoped3A, %dma_start3A_321] : memref<10x80xi32, #tpu.memory_space<vmem>> -> memref<1x80xi32, #tpu.memory_space<vmem>>
        %dma_start3A_323 = tpu.memref_squeeze %dma_start3A_322 : memref<1x80xi32, #tpu.memory_space<vmem>> -> memref<80xi32, #tpu.memory_space<vmem>>
        %dma_start3A_324 = arith.constant 0 : i32
        %dma_start3A_325 = arith.constant 0 : i32
        %dma_start3A_326 = tpu.memref_slice %arg7[%dma_start3A_324, %dma_start3A_325] : memref<10240x128xf32, #tpu.memory_space<vmem_shared>> -> memref<10240x128xf32, #tpu.memory_space<vmem_shared>>
        tpu.enqueue_indirect_dma source(%arg11 : memref<80x128xf32, #tpu.memory_space<vmem>>) target(%dma_start3A_326 : memref<10240x128xf32, #tpu.memory_space<vmem_shared>>) offsets(%dma_start3A_323 : memref<80xi32, #tpu.memory_space<vmem>>) semaphore(%run_scoped3A_320 : memref<!tpu.dma_semaphore, #tpu.memory_space<semaphore_mem>>) {add = true}
        %dma_wait3A_327 = arith.constant 0 : i32
        %dma_wait3A_328 = tpu.memref_slice %arg10[%run_scoped3A, %dma_wait3A_327] : memref<10x80xi32, #tpu.memory_space<vmem>> -> memref<1x80xi32, #tpu.memory_space<vmem>>
        %dma_wait3A_329 = tpu.memref_squeeze %dma_wait3A_328 : memref<1x80xi32, #tpu.memory_space<vmem>> -> memref<80xi32, #tpu.memory_space<vmem>>
        %dma_wait3A_330 = arith.constant 0 : i32
        %dma_wait3A_331 = arith.constant 0 : i32
        %dma_wait3A_332 = tpu.memref_slice %arg7[%dma_wait3A_330, %dma_wait3A_331] : memref<10240x128xf32, #tpu.memory_space<vmem_shared>> -> memref<10240x128xf32, #tpu.memory_space<vmem_shared>>
        tpu.wait_indirect_dma semaphore(%run_scoped3A_320 : memref<!tpu.dma_semaphore, #tpu.memory_space<semaphore_mem>>) src(%arg11 : memref<80x128xf32, #tpu.memory_space<vmem>>) dst(%dma_wait3A_332 : memref<10240x128xf32, #tpu.memory_space<vmem_shared>>)
        tpu.yield
      }) : () -> ()
      %dma_start3A_122 = arith.constant 2 : i32
      %dma_start3A_123 = arith.constant 0 : i32
      %dma_start3A_124 = tpu.memref_slice %arg9[%dma_start3A_122, %dma_start3A_123] : memref<10x80xi32, #tpu.memory_space<vmem>> -> memref<1x80xi32, #tpu.memory_space<vmem>>
      %dma_start3A_125 = tpu.memref_squeeze %dma_start3A_124 : memref<1x80xi32, #tpu.memory_space<vmem>> -> memref<80xi32, #tpu.memory_space<vmem>>
      %dma_start3A_126 = arith.constant 0 : i32
      %dma_start3A_127 = arith.constant 0 : i32
      %dma_start3A_128 = tpu.memref_slice %arg2[%dma_start3A_126, %dma_start3A_127] : memref<10000x128xf32, #tpu.memory_space<hbm>> -> memref<10000x128xf32, #tpu.memory_space<hbm>>
      tpu.enqueue_indirect_dma source(%dma_start3A_128 : memref<10000x128xf32, #tpu.memory_space<hbm>>) target(%arg11 : memref<80x128xf32, #tpu.memory_space<vmem>>) offsets(%dma_start3A_125 : memref<80xi32, #tpu.memory_space<vmem>>) semaphore(%arg15 : memref<!tpu.dma_semaphore, #tpu.memory_space<semaphore_mem>>)
      %dma_wait3A_129 = arith.constant 1 : i32
      %dma_wait3A_130 = arith.constant 0 : i32
      %dma_wait3A_131 = tpu.memref_slice %arg9[%dma_wait3A_129, %dma_wait3A_130] : memref<10x80xi32, #tpu.memory_space<vmem>> -> memref<1x80xi32, #tpu.memory_space<vmem>>
      %dma_wait3A_132 = tpu.memref_squeeze %dma_wait3A_131 : memref<1x80xi32, #tpu.memory_space<vmem>> -> memref<80xi32, #tpu.memory_space<vmem>>
      %dma_wait3A_133 = arith.constant 0 : i32
      %dma_wait3A_134 = arith.constant 0 : i32
      %dma_wait3A_135 = tpu.memref_slice %arg2[%dma_wait3A_133, %dma_wait3A_134] : memref<10000x128xf32, #tpu.memory_space<hbm>> -> memref<10000x128xf32, #tpu.memory_space<hbm>>
      tpu.wait_indirect_dma semaphore(%arg16 : memref<!tpu.dma_semaphore, #tpu.memory_space<semaphore_mem>>) src(%dma_wait3A_135 : memref<10000x128xf32, #tpu.memory_space<hbm>>) dst(%arg12 : memref<80x128xf32, #tpu.memory_space<vmem>>)
      %run_scoped3A_136 = arith.constant 1 : i32
      "tpu.region"() ({
        %run_scoped3A_320 = tpu.sem_alloc : memref<!tpu.dma_semaphore, #tpu.memory_space<semaphore_mem>>
        %dma_start3A_321 = arith.constant 0 : i32
        %dma_start3A_322 = tpu.memref_slice %arg10[%run_scoped3A_136, %dma_start3A_321] : memref<10x80xi32, #tpu.memory_space<vmem>> -> memref<1x80xi32, #tpu.memory_space<vmem>>
        %dma_start3A_323 = tpu.memref_squeeze %dma_start3A_322 : memref<1x80xi32, #tpu.memory_space<vmem>> -> memref<80xi32, #tpu.memory_space<vmem>>
        %dma_start3A_324 = arith.constant 0 : i32
        %dma_start3A_325 = arith.constant 0 : i32
        %dma_start3A_326 = tpu.memref_slice %arg7[%dma_start3A_324, %dma_start3A_325] : memref<10240x128xf32, #tpu.memory_space<vmem_shared>> -> memref<10240x128xf32, #tpu.memory_space<vmem_shared>>
        tpu.enqueue_indirect_dma source(%arg12 : memref<80x128xf32, #tpu.memory_space<vmem>>) target(%dma_start3A_326 : memref<10240x128xf32, #tpu.memory_space<vmem_shared>>) offsets(%dma_start3A_323 : memref<80xi32, #tpu.memory_space<vmem>>) semaphore(%run_scoped3A_320 : memref<!tpu.dma_semaphore, #tpu.memory_space<semaphore_mem>>) {add = true}
        %dma_wait3A_327 = arith.constant 0 : i32
        %dma_wait3A_328 = tpu.memref_slice %arg10[%run_scoped3A_136, %dma_wait3A_327] : memref<10x80xi32, #tpu.memory_space<vmem>> -> memref<1x80xi32, #tpu.memory_space<vmem>>
        %dma_wait3A_329 = tpu.memref_squeeze %dma_wait3A_328 : memref<1x80xi32, #tpu.memory_space<vmem>> -> memref<80xi32, #tpu.memory_space<vmem>>
        %dma_wait3A_330 = arith.constant 0 : i32
        %dma_wait3A_331 = arith.constant 0 : i32
        %dma_wait3A_332 = tpu.memref_slice %arg7[%dma_wait3A_330, %dma_wait3A_331] : memref<10240x128xf32, #tpu.memory_space<vmem_shared>> -> memref<10240x128xf32, #tpu.memory_space<vmem_shared>>
        tpu.wait_indirect_dma semaphore(%run_scoped3A_320 : memref<!tpu.dma_semaphore, #tpu.memory_space<semaphore_mem>>) src(%arg12 : memref<80x128xf32, #tpu.memory_space<vmem>>) dst(%dma_wait3A_332 : memref<10240x128xf32, #tpu.memory_space<vmem_shared>>)
        tpu.yield
      }) : () -> ()
      %dma_start3A_137 = arith.constant 3 : i32
      %dma_start3A_138 = arith.constant 0 : i32
      %dma_start3A_139 = tpu.memref_slice %arg9[%dma_start3A_137, %dma_start3A_138] : memref<10x80xi32, #tpu.memory_space<vmem>> -> memref<1x80xi32, #tpu.memory_space<vmem>>
      %dma_start3A_140 = tpu.memref_squeeze %dma_start3A_139 : memref<1x80xi32, #tpu.memory_space<vmem>> -> memref<80xi32, #tpu.memory_space<vmem>>
      %dma_start3A_141 = arith.constant 0 : i32
      %dma_start3A_142 = arith.constant 0 : i32
      %dma_start3A_143 = tpu.memref_slice %arg2[%dma_start3A_141, %dma_start3A_142] : memref<10000x128xf32, #tpu.memory_space<hbm>> -> memref<10000x128xf32, #tpu.memory_space<hbm>>
      tpu.enqueue_indirect_dma source(%dma_start3A_143 : memref<10000x128xf32, #tpu.memory_space<hbm>>) target(%arg12 : memref<80x128xf32, #tpu.memory_space<vmem>>) offsets(%dma_start3A_140 : memref<80xi32, #tpu.memory_space<vmem>>) semaphore(%arg16 : memref<!tpu.dma_semaphore, #tpu.memory_space<semaphore_mem>>)
      %dma_wait3A_144 = arith.constant 2 : i32
      %dma_wait3A_145 = arith.constant 0 : i32
      %dma_wait3A_146 = tpu.memref_slice %arg9[%dma_wait3A_144, %dma_wait3A_145] : memref<10x80xi32, #tpu.memory_space<vmem>> -> memref<1x80xi32, #tpu.memory_space<vmem>>
      %dma_wait3A_147 = tpu.memref_squeeze %dma_wait3A_146 : memref<1x80xi32, #tpu.memory_space<vmem>> -> memref<80xi32, #tpu.memory_space<vmem>>
      %dma_wait3A_148 = arith.constant 0 : i32
      %dma_wait3A_149 = arith.constant 0 : i32
      %dma_wait3A_150 = tpu.memref_slice %arg2[%dma_wait3A_148, %dma_wait3A_149] : memref<10000x128xf32, #tpu.memory_space<hbm>> -> memref<10000x128xf32, #tpu.memory_space<hbm>>
      tpu.wait_indirect_dma semaphore(%arg15 : memref<!tpu.dma_semaphore, #tpu.memory_space<semaphore_mem>>) src(%dma_wait3A_150 : memref<10000x128xf32, #tpu.memory_space<hbm>>) dst(%arg11 : memref<80x128xf32, #tpu.memory_space<vmem>>)
      %run_scoped3A_151 = arith.constant 2 : i32
      "tpu.region"() ({
        %run_scoped3A_320 = tpu.sem_alloc : memref<!tpu.dma_semaphore, #tpu.memory_space<semaphore_mem>>
        %dma_start3A_321 = arith.constant 0 : i32
        %dma_start3A_322 = tpu.memref_slice %arg10[%run_scoped3A_151, %dma_start3A_321] : memref<10x80xi32, #tpu.memory_space<vmem>> -> memref<1x80xi32, #tpu.memory_space<vmem>>
        %dma_start3A_323 = tpu.memref_squeeze %dma_start3A_322 : memref<1x80xi32, #tpu.memory_space<vmem>> -> memref<80xi32, #tpu.memory_space<vmem>>
        %dma_start3A_324 = arith.constant 0 : i32
        %dma_start3A_325 = arith.constant 0 : i32
        %dma_start3A_326 = tpu.memref_slice %arg7[%dma_start3A_324, %dma_start3A_325] : memref<10240x128xf32, #tpu.memory_space<vmem_shared>> -> memref<10240x128xf32, #tpu.memory_space<vmem_shared>>
        tpu.enqueue_indirect_dma source(%arg11 : memref<80x128xf32, #tpu.memory_space<vmem>>) target(%dma_start3A_326 : memref<10240x128xf32, #tpu.memory_space<vmem_shared>>) offsets(%dma_start3A_323 : memref<80xi32, #tpu.memory_space<vmem>>) semaphore(%run_scoped3A_320 : memref<!tpu.dma_semaphore, #tpu.memory_space<semaphore_mem>>) {add = true}
        %dma_wait3A_327 = arith.constant 0 : i32
        %dma_wait3A_328 = tpu.memref_slice %arg10[%run_scoped3A_151, %dma_wait3A_327] : memref<10x80xi32, #tpu.memory_space<vmem>> -> memref<1x80xi32, #tpu.memory_space<vmem>>
        %dma_wait3A_329 = tpu.memref_squeeze %dma_wait3A_328 : memref<1x80xi32, #tpu.memory_space<vmem>> -> memref<80xi32, #tpu.memory_space<vmem>>
        %dma_wait3A_330 = arith.constant 0 : i32
        %dma_wait3A_331 = arith.constant 0 : i32
        %dma_wait3A_332 = tpu.memref_slice %arg7[%dma_wait3A_330, %dma_wait3A_331] : memref<10240x128xf32, #tpu.memory_space<vmem_shared>> -> memref<10240x128xf32, #tpu.memory_space<vmem_shared>>
        tpu.wait_indirect_dma semaphore(%run_scoped3A_320 : memref<!tpu.dma_semaphore, #tpu.memory_space<semaphore_mem>>) src(%arg11 : memref<80x128xf32, #tpu.memory_space<vmem>>) dst(%dma_wait3A_332 : memref<10240x128xf32, #tpu.memory_space<vmem_shared>>)
        tpu.yield
      }) : () -> ()
      %dma_start3A_152 = arith.constant 4 : i32
      %dma_start3A_153 = arith.constant 0 : i32
      %dma_start3A_154 = tpu.memref_slice %arg9[%dma_start3A_152, %dma_start3A_153] : memref<10x80xi32, #tpu.memory_space<vmem>> -> memref<1x80xi32, #tpu.memory_space<vmem>>
      %dma_start3A_155 = tpu.memref_squeeze %dma_start3A_154 : memref<1x80xi32, #tpu.memory_space<vmem>> -> memref<80xi32, #tpu.memory_space<vmem>>
      %dma_start3A_156 = arith.constant 0 : i32
      %dma_start3A_157 = arith.constant 0 : i32
      %dma_start3A_158 = tpu.memref_slice %arg2[%dma_start3A_156, %dma_start3A_157] : memref<10000x128xf32, #tpu.memory_space<hbm>> -> memref<10000x128xf32, #tpu.memory_space<hbm>>
      tpu.enqueue_indirect_dma source(%dma_start3A_158 : memref<10000x128xf32, #tpu.memory_space<hbm>>) target(%arg11 : memref<80x128xf32, #tpu.memory_space<vmem>>) offsets(%dma_start3A_155 : memref<80xi32, #tpu.memory_space<vmem>>) semaphore(%arg15 : memref<!tpu.dma_semaphore, #tpu.memory_space<semaphore_mem>>)
      %dma_wait3A_159 = arith.constant 3 : i32
      %dma_wait3A_160 = arith.constant 0 : i32
      %dma_wait3A_161 = tpu.memref_slice %arg9[%dma_wait3A_159, %dma_wait3A_160] : memref<10x80xi32, #tpu.memory_space<vmem>> -> memref<1x80xi32, #tpu.memory_space<vmem>>
      %dma_wait3A_162 = tpu.memref_squeeze %dma_wait3A_161 : memref<1x80xi32, #tpu.memory_space<vmem>> -> memref<80xi32, #tpu.memory_space<vmem>>
      %dma_wait3A_163 = arith.constant 0 : i32
      %dma_wait3A_164 = arith.constant 0 : i32
      %dma_wait3A_165 = tpu.memref_slice %arg2[%dma_wait3A_163, %dma_wait3A_164] : memref<10000x128xf32, #tpu.memory_space<hbm>> -> memref<10000x128xf32, #tpu.memory_space<hbm>>
      tpu.wait_indirect_dma semaphore(%arg16 : memref<!tpu.dma_semaphore, #tpu.memory_space<semaphore_mem>>) src(%dma_wait3A_165 : memref<10000x128xf32, #tpu.memory_space<hbm>>) dst(%arg12 : memref<80x128xf32, #tpu.memory_space<vmem>>)
      %run_scoped3A_166 = arith.constant 3 : i32
      "tpu.region"() ({
        %run_scoped3A_320 = tpu.sem_alloc : memref<!tpu.dma_semaphore, #tpu.memory_space<semaphore_mem>>
        %dma_start3A_321 = arith.constant 0 : i32
        %dma_start3A_322 = tpu.memref_slice %arg10[%run_scoped3A_166, %dma_start3A_321] : memref<10x80xi32, #tpu.memory_space<vmem>> -> memref<1x80xi32, #tpu.memory_space<vmem>>
        %dma_start3A_323 = tpu.memref_squeeze %dma_start3A_322 : memref<1x80xi32, #tpu.memory_space<vmem>> -> memref<80xi32, #tpu.memory_space<vmem>>
        %dma_start3A_324 = arith.constant 0 : i32
        %dma_start3A_325 = arith.constant 0 : i32
        %dma_start3A_326 = tpu.memref_slice %arg7[%dma_start3A_324, %dma_start3A_325] : memref<10240x128xf32, #tpu.memory_space<vmem_shared>> -> memref<10240x128xf32, #tpu.memory_space<vmem_shared>>
        tpu.enqueue_indirect_dma source(%arg12 : memref<80x128xf32, #tpu.memory_space<vmem>>) target(%dma_start3A_326 : memref<10240x128xf32, #tpu.memory_space<vmem_shared>>) offsets(%dma_start3A_323 : memref<80xi32, #tpu.memory_space<vmem>>) semaphore(%run_scoped3A_320 : memref<!tpu.dma_semaphore, #tpu.memory_space<semaphore_mem>>) {add = true}
        %dma_wait3A_327 = arith.constant 0 : i32
        %dma_wait3A_328 = tpu.memref_slice %arg10[%run_scoped3A_166, %dma_wait3A_327] : memref<10x80xi32, #tpu.memory_space<vmem>> -> memref<1x80xi32, #tpu.memory_space<vmem>>
        %dma_wait3A_329 = tpu.memref_squeeze %dma_wait3A_328 : memref<1x80xi32, #tpu.memory_space<vmem>> -> memref<80xi32, #tpu.memory_space<vmem>>
        %dma_wait3A_330 = arith.constant 0 : i32
        %dma_wait3A_331 = arith.constant 0 : i32
        %dma_wait3A_332 = tpu.memref_slice %arg7[%dma_wait3A_330, %dma_wait3A_331] : memref<10240x128xf32, #tpu.memory_space<vmem_shared>> -> memref<10240x128xf32, #tpu.memory_space<vmem_shared>>
        tpu.wait_indirect_dma semaphore(%run_scoped3A_320 : memref<!tpu.dma_semaphore, #tpu.memory_space<semaphore_mem>>) src(%arg12 : memref<80x128xf32, #tpu.memory_space<vmem>>) dst(%dma_wait3A_332 : memref<10240x128xf32, #tpu.memory_space<vmem_shared>>)
        tpu.yield
      }) : () -> ()
      %dma_start3A_167 = arith.constant 5 : i32
      %dma_start3A_168 = arith.constant 0 : i32
      %dma_start3A_169 = tpu.memref_slice %arg9[%dma_start3A_167, %dma_start3A_168] : memref<10x80xi32, #tpu.memory_space<vmem>> -> memref<1x80xi32, #tpu.memory_space<vmem>>
      %dma_start3A_170 = tpu.memref_squeeze %dma_start3A_169 : memref<1x80xi32, #tpu.memory_space<vmem>> -> memref<80xi32, #tpu.memory_space<vmem>>
      %dma_start3A_171 = arith.constant 0 : i32
      %dma_start3A_172 = arith.constant 0 : i32
      %dma_start3A_173 = tpu.memref_slice %arg2[%dma_start3A_171, %dma_start3A_172] : memref<10000x128xf32, #tpu.memory_space<hbm>> -> memref<10000x128xf32, #tpu.memory_space<hbm>>
      tpu.enqueue_indirect_dma source(%dma_start3A_173 : memref<10000x128xf32, #tpu.memory_space<hbm>>) target(%arg12 : memref<80x128xf32, #tpu.memory_space<vmem>>) offsets(%dma_start3A_170 : memref<80xi32, #tpu.memory_space<vmem>>) semaphore(%arg16 : memref<!tpu.dma_semaphore, #tpu.memory_space<semaphore_mem>>)
      %dma_wait3A_174 = arith.constant 4 : i32
      %dma_wait3A_175 = arith.constant 0 : i32
      %dma_wait3A_176 = tpu.memref_slice %arg9[%dma_wait3A_174, %dma_wait3A_175] : memref<10x80xi32, #tpu.memory_space<vmem>> -> memref<1x80xi32, #tpu.memory_space<vmem>>
      %dma_wait3A_177 = tpu.memref_squeeze %dma_wait3A_176 : memref<1x80xi32, #tpu.memory_space<vmem>> -> memref<80xi32, #tpu.memory_space<vmem>>
      %dma_wait3A_178 = arith.constant 0 : i32
      %dma_wait3A_179 = arith.constant 0 : i32
      %dma_wait3A_180 = tpu.memref_slice %arg2[%dma_wait3A_178, %dma_wait3A_179] : memref<10000x128xf32, #tpu.memory_space<hbm>> -> memref<10000x128xf32, #tpu.memory_space<hbm>>
      tpu.wait_indirect_dma semaphore(%arg15 : memref<!tpu.dma_semaphore, #tpu.memory_space<semaphore_mem>>) src(%dma_wait3A_180 : memref<10000x128xf32, #tpu.memory_space<hbm>>) dst(%arg11 : memref<80x128xf32, #tpu.memory_space<vmem>>)
      %run_scoped3A_181 = arith.constant 4 : i32
      "tpu.region"() ({
        %run_scoped3A_320 = tpu.sem_alloc : memref<!tpu.dma_semaphore, #tpu.memory_space<semaphore_mem>>
        %dma_start3A_321 = arith.constant 0 : i32
        %dma_start3A_322 = tpu.memref_slice %arg10[%run_scoped3A_181, %dma_start3A_321] : memref<10x80xi32, #tpu.memory_space<vmem>> -> memref<1x80xi32, #tpu.memory_space<vmem>>
        %dma_start3A_323 = tpu.memref_squeeze %dma_start3A_322 : memref<1x80xi32, #tpu.memory_space<vmem>> -> memref<80xi32, #tpu.memory_space<vmem>>
        %dma_start3A_324 = arith.constant 0 : i32
        %dma_start3A_325 = arith.constant 0 : i32
        %dma_start3A_326 = tpu.memref_slice %arg7[%dma_start3A_324, %dma_start3A_325] : memref<10240x128xf32, #tpu.memory_space<vmem_shared>> -> memref<10240x128xf32, #tpu.memory_space<vmem_shared>>
        tpu.enqueue_indirect_dma source(%arg11 : memref<80x128xf32, #tpu.memory_space<vmem>>) target(%dma_start3A_326 : memref<10240x128xf32, #tpu.memory_space<vmem_shared>>) offsets(%dma_start3A_323 : memref<80xi32, #tpu.memory_space<vmem>>) semaphore(%run_scoped3A_320 : memref<!tpu.dma_semaphore, #tpu.memory_space<semaphore_mem>>) {add = true}
        %dma_wait3A_327 = arith.constant 0 : i32
        %dma_wait3A_328 = tpu.memref_slice %arg10[%run_scoped3A_181, %dma_wait3A_327] : memref<10x80xi32, #tpu.memory_space<vmem>> -> memref<1x80xi32, #tpu.memory_space<vmem>>
        %dma_wait3A_329 = tpu.memref_squeeze %dma_wait3A_328 : memref<1x80xi32, #tpu.memory_space<vmem>> -> memref<80xi32, #tpu.memory_space<vmem>>
        %dma_wait3A_330 = arith.constant 0 : i32
        %dma_wait3A_331 = arith.constant 0 : i32
        %dma_wait3A_332 = tpu.memref_slice %arg7[%dma_wait3A_330, %dma_wait3A_331] : memref<10240x128xf32, #tpu.memory_space<vmem_shared>> -> memref<10240x128xf32, #tpu.memory_space<vmem_shared>>
        tpu.wait_indirect_dma semaphore(%run_scoped3A_320 : memref<!tpu.dma_semaphore, #tpu.memory_space<semaphore_mem>>) src(%arg11 : memref<80x128xf32, #tpu.memory_space<vmem>>) dst(%dma_wait3A_332 : memref<10240x128xf32, #tpu.memory_space<vmem_shared>>)
        tpu.yield
      }) : () -> ()
      %dma_start3A_182 = arith.constant 6 : i32
      %dma_start3A_183 = arith.constant 0 : i32
      %dma_start3A_184 = tpu.memref_slice %arg9[%dma_start3A_182, %dma_start3A_183] : memref<10x80xi32, #tpu.memory_space<vmem>> -> memref<1x80xi32, #tpu.memory_space<vmem>>
      %dma_start3A_185 = tpu.memref_squeeze %dma_start3A_184 : memref<1x80xi32, #tpu.memory_space<vmem>> -> memref<80xi32, #tpu.memory_space<vmem>>
      %dma_start3A_186 = arith.constant 0 : i32
      %dma_start3A_187 = arith.constant 0 : i32
      %dma_start3A_188 = tpu.memref_slice %arg2[%dma_start3A_186, %dma_start3A_187] : memref<10000x128xf32, #tpu.memory_space<hbm>> -> memref<10000x128xf32, #tpu.memory_space<hbm>>
      tpu.enqueue_indirect_dma source(%dma_start3A_188 : memref<10000x128xf32, #tpu.memory_space<hbm>>) target(%arg11 : memref<80x128xf32, #tpu.memory_space<vmem>>) offsets(%dma_start3A_185 : memref<80xi32, #tpu.memory_space<vmem>>) semaphore(%arg15 : memref<!tpu.dma_semaphore, #tpu.memory_space<semaphore_mem>>)
      %dma_wait3A_189 = arith.constant 5 : i32
      %dma_wait3A_190 = arith.constant 0 : i32
      %dma_wait3A_191 = tpu.memref_slice %arg9[%dma_wait3A_189, %dma_wait3A_190] : memref<10x80xi32, #tpu.memory_space<vmem>> -> memref<1x80xi32, #tpu.memory_space<vmem>>
      %dma_wait3A_192 = tpu.memref_squeeze %dma_wait3A_191 : memref<1x80xi32, #tpu.memory_space<vmem>> -> memref<80xi32, #tpu.memory_space<vmem>>
      %dma_wait3A_193 = arith.constant 0 : i32
      %dma_wait3A_194 = arith.constant 0 : i32
      %dma_wait3A_195 = tpu.memref_slice %arg2[%dma_wait3A_193, %dma_wait3A_194] : memref<10000x128xf32, #tpu.memory_space<hbm>> -> memref<10000x128xf32, #tpu.memory_space<hbm>>
      tpu.wait_indirect_dma semaphore(%arg16 : memref<!tpu.dma_semaphore, #tpu.memory_space<semaphore_mem>>) src(%dma_wait3A_195 : memref<10000x128xf32, #tpu.memory_space<hbm>>) dst(%arg12 : memref<80x128xf32, #tpu.memory_space<vmem>>)
      %run_scoped3A_196 = arith.constant 5 : i32
      "tpu.region"() ({
        %run_scoped3A_320 = tpu.sem_alloc : memref<!tpu.dma_semaphore, #tpu.memory_space<semaphore_mem>>
        %dma_start3A_321 = arith.constant 0 : i32
        %dma_start3A_322 = tpu.memref_slice %arg10[%run_scoped3A_196, %dma_start3A_321] : memref<10x80xi32, #tpu.memory_space<vmem>> -> memref<1x80xi32, #tpu.memory_space<vmem>>
        %dma_start3A_323 = tpu.memref_squeeze %dma_start3A_322 : memref<1x80xi32, #tpu.memory_space<vmem>> -> memref<80xi32, #tpu.memory_space<vmem>>
        %dma_start3A_324 = arith.constant 0 : i32
        %dma_start3A_325 = arith.constant 0 : i32
        %dma_start3A_326 = tpu.memref_slice %arg7[%dma_start3A_324, %dma_start3A_325] : memref<10240x128xf32, #tpu.memory_space<vmem_shared>> -> memref<10240x128xf32, #tpu.memory_space<vmem_shared>>
        tpu.enqueue_indirect_dma source(%arg12 : memref<80x128xf32, #tpu.memory_space<vmem>>) target(%dma_start3A_326 : memref<10240x128xf32, #tpu.memory_space<vmem_shared>>) offsets(%dma_start3A_323 : memref<80xi32, #tpu.memory_space<vmem>>) semaphore(%run_scoped3A_320 : memref<!tpu.dma_semaphore, #tpu.memory_space<semaphore_mem>>) {add = true}
        %dma_wait3A_327 = arith.constant 0 : i32
        %dma_wait3A_328 = tpu.memref_slice %arg10[%run_scoped3A_196, %dma_wait3A_327] : memref<10x80xi32, #tpu.memory_space<vmem>> -> memref<1x80xi32, #tpu.memory_space<vmem>>
        %dma_wait3A_329 = tpu.memref_squeeze %dma_wait3A_328 : memref<1x80xi32, #tpu.memory_space<vmem>> -> memref<80xi32, #tpu.memory_space<vmem>>
        %dma_wait3A_330 = arith.constant 0 : i32
        %dma_wait3A_331 = arith.constant 0 : i32
        %dma_wait3A_332 = tpu.memref_slice %arg7[%dma_wait3A_330, %dma_wait3A_331] : memref<10240x128xf32, #tpu.memory_space<vmem_shared>> -> memref<10240x128xf32, #tpu.memory_space<vmem_shared>>
        tpu.wait_indirect_dma semaphore(%run_scoped3A_320 : memref<!tpu.dma_semaphore, #tpu.memory_space<semaphore_mem>>) src(%arg12 : memref<80x128xf32, #tpu.memory_space<vmem>>) dst(%dma_wait3A_332 : memref<10240x128xf32, #tpu.memory_space<vmem_shared>>)
        tpu.yield
      }) : () -> ()
      %dma_start3A_197 = arith.constant 7 : i32
      %dma_start3A_198 = arith.constant 0 : i32
      %dma_start3A_199 = tpu.memref_slice %arg9[%dma_start3A_197, %dma_start3A_198] : memref<10x80xi32, #tpu.memory_space<vmem>> -> memref<1x80xi32, #tpu.memory_space<vmem>>
      %dma_start3A_200 = tpu.memref_squeeze %dma_start3A_199 : memref<1x80xi32, #tpu.memory_space<vmem>> -> memref<80xi32, #tpu.memory_space<vmem>>
      %dma_start3A_201 = arith.constant 0 : i32
      %dma_start3A_202 = arith.constant 0 : i32
      %dma_start3A_203 = tpu.memref_slice %arg2[%dma_start3A_201, %dma_start3A_202] : memref<10000x128xf32, #tpu.memory_space<hbm>> -> memref<10000x128xf32, #tpu.memory_space<hbm>>
      tpu.enqueue_indirect_dma source(%dma_start3A_203 : memref<10000x128xf32, #tpu.memory_space<hbm>>) target(%arg12 : memref<80x128xf32, #tpu.memory_space<vmem>>) offsets(%dma_start3A_200 : memref<80xi32, #tpu.memory_space<vmem>>) semaphore(%arg16 : memref<!tpu.dma_semaphore, #tpu.memory_space<semaphore_mem>>)
      %dma_wait3A_204 = arith.constant 6 : i32
      %dma_wait3A_205 = arith.constant 0 : i32
      %dma_wait3A_206 = tpu.memref_slice %arg9[%dma_wait3A_204, %dma_wait3A_205] : memref<10x80xi32, #tpu.memory_space<vmem>> -> memref<1x80xi32, #tpu.memory_space<vmem>>
      %dma_wait3A_207 = tpu.memref_squeeze %dma_wait3A_206 : memref<1x80xi32, #tpu.memory_space<vmem>> -> memref<80xi32, #tpu.memory_space<vmem>>
      %dma_wait3A_208 = arith.constant 0 : i32
      %dma_wait3A_209 = arith.constant 0 : i32
      %dma_wait3A_210 = tpu.memref_slice %arg2[%dma_wait3A_208, %dma_wait3A_209] : memref<10000x128xf32, #tpu.memory_space<hbm>> -> memref<10000x128xf32, #tpu.memory_space<hbm>>
      tpu.wait_indirect_dma semaphore(%arg15 : memref<!tpu.dma_semaphore, #tpu.memory_space<semaphore_mem>>) src(%dma_wait3A_210 : memref<10000x128xf32, #tpu.memory_space<hbm>>) dst(%arg11 : memref<80x128xf32, #tpu.memory_space<vmem>>)
      %run_scoped3A_211 = arith.constant 6 : i32
      "tpu.region"() ({
        %run_scoped3A_320 = tpu.sem_alloc : memref<!tpu.dma_semaphore, #tpu.memory_space<semaphore_mem>>
        %dma_start3A_321 = arith.constant 0 : i32
        %dma_start3A_322 = tpu.memref_slice %arg10[%run_scoped3A_211, %dma_start3A_321] : memref<10x80xi32, #tpu.memory_space<vmem>> -> memref<1x80xi32, #tpu.memory_space<vmem>>
        %dma_start3A_323 = tpu.memref_squeeze %dma_start3A_322 : memref<1x80xi32, #tpu.memory_space<vmem>> -> memref<80xi32, #tpu.memory_space<vmem>>
        %dma_start3A_324 = arith.constant 0 : i32
        %dma_start3A_325 = arith.constant 0 : i32
        %dma_start3A_326 = tpu.memref_slice %arg7[%dma_start3A_324, %dma_start3A_325] : memref<10240x128xf32, #tpu.memory_space<vmem_shared>> -> memref<10240x128xf32, #tpu.memory_space<vmem_shared>>
        tpu.enqueue_indirect_dma source(%arg11 : memref<80x128xf32, #tpu.memory_space<vmem>>) target(%dma_start3A_326 : memref<10240x128xf32, #tpu.memory_space<vmem_shared>>) offsets(%dma_start3A_323 : memref<80xi32, #tpu.memory_space<vmem>>) semaphore(%run_scoped3A_320 : memref<!tpu.dma_semaphore, #tpu.memory_space<semaphore_mem>>) {add = true}
        %dma_wait3A_327 = arith.constant 0 : i32
        %dma_wait3A_328 = tpu.memref_slice %arg10[%run_scoped3A_211, %dma_wait3A_327] : memref<10x80xi32, #tpu.memory_space<vmem>> -> memref<1x80xi32, #tpu.memory_space<vmem>>
        %dma_wait3A_329 = tpu.memref_squeeze %dma_wait3A_328 : memref<1x80xi32, #tpu.memory_space<vmem>> -> memref<80xi32, #tpu.memory_space<vmem>>
        %dma_wait3A_330 = arith.constant 0 : i32
        %dma_wait3A_331 = arith.constant 0 : i32
        %dma_wait3A_332 = tpu.memref_slice %arg7[%dma_wait3A_330, %dma_wait3A_331] : memref<10240x128xf32, #tpu.memory_space<vmem_shared>> -> memref<10240x128xf32, #tpu.memory_space<vmem_shared>>
        tpu.wait_indirect_dma semaphore(%run_scoped3A_320 : memref<!tpu.dma_semaphore, #tpu.memory_space<semaphore_mem>>) src(%arg11 : memref<80x128xf32, #tpu.memory_space<vmem>>) dst(%dma_wait3A_332 : memref<10240x128xf32, #tpu.memory_space<vmem_shared>>)
        tpu.yield
      }) : () -> ()
      %dma_start3A_212 = arith.constant 8 : i32
      %dma_start3A_213 = arith.constant 0 : i32
      %dma_start3A_214 = tpu.memref_slice %arg9[%dma_start3A_212, %dma_start3A_213] : memref<10x80xi32, #tpu.memory_space<vmem>> -> memref<1x80xi32, #tpu.memory_space<vmem>>
      %dma_start3A_215 = tpu.memref_squeeze %dma_start3A_214 : memref<1x80xi32, #tpu.memory_space<vmem>> -> memref<80xi32, #tpu.memory_space<vmem>>
      %dma_start3A_216 = arith.constant 0 : i32
      %dma_start3A_217 = arith.constant 0 : i32
      %dma_start3A_218 = tpu.memref_slice %arg2[%dma_start3A_216, %dma_start3A_217] : memref<10000x128xf32, #tpu.memory_space<hbm>> -> memref<10000x128xf32, #tpu.memory_space<hbm>>
      tpu.enqueue_indirect_dma source(%dma_start3A_218 : memref<10000x128xf32, #tpu.memory_space<hbm>>) target(%arg11 : memref<80x128xf32, #tpu.memory_space<vmem>>) offsets(%dma_start3A_215 : memref<80xi32, #tpu.memory_space<vmem>>) semaphore(%arg15 : memref<!tpu.dma_semaphore, #tpu.memory_space<semaphore_mem>>)
      %dma_wait3A_219 = arith.constant 7 : i32
      %dma_wait3A_220 = arith.constant 0 : i32
      %dma_wait3A_221 = tpu.memref_slice %arg9[%dma_wait3A_219, %dma_wait3A_220] : memref<10x80xi32, #tpu.memory_space<vmem>> -> memref<1x80xi32, #tpu.memory_space<vmem>>
      %dma_wait3A_222 = tpu.memref_squeeze %dma_wait3A_221 : memref<1x80xi32, #tpu.memory_space<vmem>> -> memref<80xi32, #tpu.memory_space<vmem>>
      %dma_wait3A_223 = arith.constant 0 : i32
      %dma_wait3A_224 = arith.constant 0 : i32
      %dma_wait3A_225 = tpu.memref_slice %arg2[%dma_wait3A_223, %dma_wait3A_224] : memref<10000x128xf32, #tpu.memory_space<hbm>> -> memref<10000x128xf32, #tpu.memory_space<hbm>>
      tpu.wait_indirect_dma semaphore(%arg16 : memref<!tpu.dma_semaphore, #tpu.memory_space<semaphore_mem>>) src(%dma_wait3A_225 : memref<10000x128xf32, #tpu.memory_space<hbm>>) dst(%arg12 : memref<80x128xf32, #tpu.memory_space<vmem>>)
      %run_scoped3A_226 = arith.constant 7 : i32
      "tpu.region"() ({
        %run_scoped3A_320 = tpu.sem_alloc : memref<!tpu.dma_semaphore, #tpu.memory_space<semaphore_mem>>
        %dma_start3A_321 = arith.constant 0 : i32
        %dma_start3A_322 = tpu.memref_slice %arg10[%run_scoped3A_226, %dma_start3A_321] : memref<10x80xi32, #tpu.memory_space<vmem>> -> memref<1x80xi32, #tpu.memory_space<vmem>>
        %dma_start3A_323 = tpu.memref_squeeze %dma_start3A_322 : memref<1x80xi32, #tpu.memory_space<vmem>> -> memref<80xi32, #tpu.memory_space<vmem>>
        %dma_start3A_324 = arith.constant 0 : i32
        %dma_start3A_325 = arith.constant 0 : i32
        %dma_start3A_326 = tpu.memref_slice %arg7[%dma_start3A_324, %dma_start3A_325] : memref<10240x128xf32, #tpu.memory_space<vmem_shared>> -> memref<10240x128xf32, #tpu.memory_space<vmem_shared>>
        tpu.enqueue_indirect_dma source(%arg12 : memref<80x128xf32, #tpu.memory_space<vmem>>) target(%dma_start3A_326 : memref<10240x128xf32, #tpu.memory_space<vmem_shared>>) offsets(%dma_start3A_323 : memref<80xi32, #tpu.memory_space<vmem>>) semaphore(%run_scoped3A_320 : memref<!tpu.dma_semaphore, #tpu.memory_space<semaphore_mem>>) {add = true}
        %dma_wait3A_327 = arith.constant 0 : i32
        %dma_wait3A_328 = tpu.memref_slice %arg10[%run_scoped3A_226, %dma_wait3A_327] : memref<10x80xi32, #tpu.memory_space<vmem>> -> memref<1x80xi32, #tpu.memory_space<vmem>>
        %dma_wait3A_329 = tpu.memref_squeeze %dma_wait3A_328 : memref<1x80xi32, #tpu.memory_space<vmem>> -> memref<80xi32, #tpu.memory_space<vmem>>
        %dma_wait3A_330 = arith.constant 0 : i32
        %dma_wait3A_331 = arith.constant 0 : i32
        %dma_wait3A_332 = tpu.memref_slice %arg7[%dma_wait3A_330, %dma_wait3A_331] : memref<10240x128xf32, #tpu.memory_space<vmem_shared>> -> memref<10240x128xf32, #tpu.memory_space<vmem_shared>>
        tpu.wait_indirect_dma semaphore(%run_scoped3A_320 : memref<!tpu.dma_semaphore, #tpu.memory_space<semaphore_mem>>) src(%arg12 : memref<80x128xf32, #tpu.memory_space<vmem>>) dst(%dma_wait3A_332 : memref<10240x128xf32, #tpu.memory_space<vmem_shared>>)
        tpu.yield
      }) : () -> ()
      %dma_start3A_227 = arith.constant 9 : i32
      %dma_start3A_228 = arith.constant 0 : i32
      %dma_start3A_229 = tpu.memref_slice %arg9[%dma_start3A_227, %dma_start3A_228] : memref<10x80xi32, #tpu.memory_space<vmem>> -> memref<1x80xi32, #tpu.memory_space<vmem>>
      %dma_start3A_230 = tpu.memref_squeeze %dma_start3A_229 : memref<1x80xi32, #tpu.memory_space<vmem>> -> memref<80xi32, #tpu.memory_space<vmem>>
      %dma_start3A_231 = arith.constant 0 : i32
      %dma_start3A_232 = arith.constant 0 : i32
      %dma_start3A_233 = tpu.memref_slice %arg2[%dma_start3A_231, %dma_start3A_232] : memref<10000x128xf32, #tpu.memory_space<hbm>> -> memref<10000x128xf32, #tpu.memory_space<hbm>>
      tpu.enqueue_indirect_dma source(%dma_start3A_233 : memref<10000x128xf32, #tpu.memory_space<hbm>>) target(%arg12 : memref<80x128xf32, #tpu.memory_space<vmem>>) offsets(%dma_start3A_230 : memref<80xi32, #tpu.memory_space<vmem>>) semaphore(%arg16 : memref<!tpu.dma_semaphore, #tpu.memory_space<semaphore_mem>>)
      %dma_wait3A_234 = arith.constant 8 : i32
      %dma_wait3A_235 = arith.constant 0 : i32
      %dma_wait3A_236 = tpu.memref_slice %arg9[%dma_wait3A_234, %dma_wait3A_235] : memref<10x80xi32, #tpu.memory_space<vmem>> -> memref<1x80xi32, #tpu.memory_space<vmem>>
      %dma_wait3A_237 = tpu.memref_squeeze %dma_wait3A_236 : memref<1x80xi32, #tpu.memory_space<vmem>> -> memref<80xi32, #tpu.memory_space<vmem>>
      %dma_wait3A_238 = arith.constant 0 : i32
      %dma_wait3A_239 = arith.constant 0 : i32
      %dma_wait3A_240 = tpu.memref_slice %arg2[%dma_wait3A_238, %dma_wait3A_239] : memref<10000x128xf32, #tpu.memory_space<hbm>> -> memref<10000x128xf32, #tpu.memory_space<hbm>>
      tpu.wait_indirect_dma semaphore(%arg15 : memref<!tpu.dma_semaphore, #tpu.memory_space<semaphore_mem>>) src(%dma_wait3A_240 : memref<10000x128xf32, #tpu.memory_space<hbm>>) dst(%arg11 : memref<80x128xf32, #tpu.memory_space<vmem>>)
      %run_scoped3A_241 = arith.constant 8 : i32
      "tpu.region"() ({
        %run_scoped3A_320 = tpu.sem_alloc : memref<!tpu.dma_semaphore, #tpu.memory_space<semaphore_mem>>
        %dma_start3A_321 = arith.constant 0 : i32
        %dma_start3A_322 = tpu.memref_slice %arg10[%run_scoped3A_241, %dma_start3A_321] : memref<10x80xi32, #tpu.memory_space<vmem>> -> memref<1x80xi32, #tpu.memory_space<vmem>>
        %dma_start3A_323 = tpu.memref_squeeze %dma_start3A_322 : memref<1x80xi32, #tpu.memory_space<vmem>> -> memref<80xi32, #tpu.memory_space<vmem>>
        %dma_start3A_324 = arith.constant 0 : i32
        %dma_start3A_325 = arith.constant 0 : i32
        %dma_start3A_326 = tpu.memref_slice %arg7[%dma_start3A_324, %dma_start3A_325] : memref<10240x128xf32, #tpu.memory_space<vmem_shared>> -> memref<10240x128xf32, #tpu.memory_space<vmem_shared>>
        tpu.enqueue_indirect_dma source(%arg11 : memref<80x128xf32, #tpu.memory_space<vmem>>) target(%dma_start3A_326 : memref<10240x128xf32, #tpu.memory_space<vmem_shared>>) offsets(%dma_start3A_323 : memref<80xi32, #tpu.memory_space<vmem>>) semaphore(%run_scoped3A_320 : memref<!tpu.dma_semaphore, #tpu.memory_space<semaphore_mem>>) {add = true}
        %dma_wait3A_327 = arith.constant 0 : i32
        %dma_wait3A_328 = tpu.memref_slice %arg10[%run_scoped3A_241, %dma_wait3A_327] : memref<10x80xi32, #tpu.memory_space<vmem>> -> memref<1x80xi32, #tpu.memory_space<vmem>>
        %dma_wait3A_329 = tpu.memref_squeeze %dma_wait3A_328 : memref<1x80xi32, #tpu.memory_space<vmem>> -> memref<80xi32, #tpu.memory_space<vmem>>
        %dma_wait3A_330 = arith.constant 0 : i32
        %dma_wait3A_331 = arith.constant 0 : i32
        %dma_wait3A_332 = tpu.memref_slice %arg7[%dma_wait3A_330, %dma_wait3A_331] : memref<10240x128xf32, #tpu.memory_space<vmem_shared>> -> memref<10240x128xf32, #tpu.memory_space<vmem_shared>>
        tpu.wait_indirect_dma semaphore(%run_scoped3A_320 : memref<!tpu.dma_semaphore, #tpu.memory_space<semaphore_mem>>) src(%arg11 : memref<80x128xf32, #tpu.memory_space<vmem>>) dst(%dma_wait3A_332 : memref<10240x128xf32, #tpu.memory_space<vmem_shared>>)
        tpu.yield
      }) : () -> ()
      %dma_wait3A_242 = arith.constant 9 : i32
      %dma_wait3A_243 = arith.constant 0 : i32
      %dma_wait3A_244 = tpu.memref_slice %arg9[%dma_wait3A_242, %dma_wait3A_243] : memref<10x80xi32, #tpu.memory_space<vmem>> -> memref<1x80xi32, #tpu.memory_space<vmem>>
      %dma_wait3A_245 = tpu.memref_squeeze %dma_wait3A_244 : memref<1x80xi32, #tpu.memory_space<vmem>> -> memref<80xi32, #tpu.memory_space<vmem>>
      %dma_wait3A_246 = arith.constant 0 : i32
      %dma_wait3A_247 = arith.constant 0 : i32
      %dma_wait3A_248 = tpu.memref_slice %arg2[%dma_wait3A_246, %dma_wait3A_247] : memref<10000x128xf32, #tpu.memory_space<hbm>> -> memref<10000x128xf32, #tpu.memory_space<hbm>>
      tpu.wait_indirect_dma semaphore(%arg16 : memref<!tpu.dma_semaphore, #tpu.memory_space<semaphore_mem>>) src(%dma_wait3A_248 : memref<10000x128xf32, #tpu.memory_space<hbm>>) dst(%arg12 : memref<80x128xf32, #tpu.memory_space<vmem>>)
      %run_scoped3A_249 = arith.constant 9 : i32
      "tpu.region"() ({
        %run_scoped3A_320 = tpu.sem_alloc : memref<!tpu.dma_semaphore, #tpu.memory_space<semaphore_mem>>
        %dma_start3A_321 = arith.constant 0 : i32
        %dma_start3A_322 = tpu.memref_slice %arg10[%run_scoped3A_249, %dma_start3A_321] : memref<10x80xi32, #tpu.memory_space<vmem>> -> memref<1x80xi32, #tpu.memory_space<vmem>>
        %dma_start3A_323 = tpu.memref_squeeze %dma_start3A_322 : memref<1x80xi32, #tpu.memory_space<vmem>> -> memref<80xi32, #tpu.memory_space<vmem>>
        %dma_start3A_324 = arith.constant 0 : i32
        %dma_start3A_325 = arith.constant 0 : i32
        %dma_start3A_326 = tpu.memref_slice %arg7[%dma_start3A_324, %dma_start3A_325] : memref<10240x128xf32, #tpu.memory_space<vmem_shared>> -> memref<10240x128xf32, #tpu.memory_space<vmem_shared>>
        tpu.enqueue_indirect_dma source(%arg12 : memref<80x128xf32, #tpu.memory_space<vmem>>) target(%dma_start3A_326 : memref<10240x128xf32, #tpu.memory_space<vmem_shared>>) offsets(%dma_start3A_323 : memref<80xi32, #tpu.memory_space<vmem>>) semaphore(%run_scoped3A_320 : memref<!tpu.dma_semaphore, #tpu.memory_space<semaphore_mem>>) {add = true}
        %dma_wait3A_327 = arith.constant 0 : i32
        %dma_wait3A_328 = tpu.memref_slice %arg10[%run_scoped3A_249, %dma_wait3A_327] : memref<10x80xi32, #tpu.memory_space<vmem>> -> memref<1x80xi32, #tpu.memory_space<vmem>>
        %dma_wait3A_329 = tpu.memref_squeeze %dma_wait3A_328 : memref<1x80xi32, #tpu.memory_space<vmem>> -> memref<80xi32, #tpu.memory_space<vmem>>
        %dma_wait3A_330 = arith.constant 0 : i32
        %dma_wait3A_331 = arith.constant 0 : i32
        %dma_wait3A_332 = tpu.memref_slice %arg7[%dma_wait3A_330, %dma_wait3A_331] : memref<10240x128xf32, #tpu.memory_space<vmem_shared>> -> memref<10240x128xf32, #tpu.memory_space<vmem_shared>>
        tpu.wait_indirect_dma semaphore(%run_scoped3A_320 : memref<!tpu.dma_semaphore, #tpu.memory_space<semaphore_mem>>) src(%arg12 : memref<80x128xf32, #tpu.memory_space<vmem>>) dst(%dma_wait3A_332 : memref<10240x128xf32, #tpu.memory_space<vmem_shared>>)
        tpu.yield
      }) : () -> ()
      %dma_wait3A_250 = arith.constant 0 : i32
      %dma_wait3A_251 = arith.constant 0 : i32
      %dma_wait3A_252 = tpu.memref_slice %arg10[%dma_wait3A_250, %dma_wait3A_251] : memref<10x80xi32, #tpu.memory_space<vmem>> -> memref<1x80xi32, #tpu.memory_space<vmem>>
      %dma_wait3A_253 = tpu.memref_squeeze %dma_wait3A_252 : memref<1x80xi32, #tpu.memory_space<vmem>> -> memref<80xi32, #tpu.memory_space<vmem>>
      %dma_wait3A_254 = arith.constant 0 : i32
      %dma_wait3A_255 = arith.constant 0 : i32
      %dma_wait3A_256 = tpu.memref_slice %arg8[%dma_wait3A_254, %dma_wait3A_255] : memref<10240x16xf32, #tpu.memory_space<vmem_shared>> -> memref<10240x16xf32, #tpu.memory_space<vmem_shared>>
      tpu.wait_indirect_dma semaphore(%arg17 : memref<!tpu.dma_semaphore, #tpu.memory_space<semaphore_mem>>) src(%arg13 : memref<80x16xf32, #tpu.memory_space<vmem>>) dst(%dma_wait3A_256 : memref<10240x16xf32, #tpu.memory_space<vmem_shared>>)
      %dma_wait3A_257 = arith.constant 1 : i32
      %dma_wait3A_258 = arith.constant 0 : i32
      %dma_wait3A_259 = tpu.memref_slice %arg10[%dma_wait3A_257, %dma_wait3A_258] : memref<10x80xi32, #tpu.memory_space<vmem>> -> memref<1x80xi32, #tpu.memory_space<vmem>>
      %dma_wait3A_260 = tpu.memref_squeeze %dma_wait3A_259 : memref<1x80xi32, #tpu.memory_space<vmem>> -> memref<80xi32, #tpu.memory_space<vmem>>
      %dma_wait3A_261 = arith.constant 0 : i32
      %dma_wait3A_262 = arith.constant 0 : i32
      %dma_wait3A_263 = tpu.memref_slice %arg8[%dma_wait3A_261, %dma_wait3A_262] : memref<10240x16xf32, #tpu.memory_space<vmem_shared>> -> memref<10240x16xf32, #tpu.memory_space<vmem_shared>>
      tpu.wait_indirect_dma semaphore(%arg17 : memref<!tpu.dma_semaphore, #tpu.memory_space<semaphore_mem>>) src(%arg13 : memref<80x16xf32, #tpu.memory_space<vmem>>) dst(%dma_wait3A_263 : memref<10240x16xf32, #tpu.memory_space<vmem_shared>>)
      %dma_wait3A_264 = arith.constant 2 : i32
      %dma_wait3A_265 = arith.constant 0 : i32
      %dma_wait3A_266 = tpu.memref_slice %arg10[%dma_wait3A_264, %dma_wait3A_265] : memref<10x80xi32, #tpu.memory_space<vmem>> -> memref<1x80xi32, #tpu.memory_space<vmem>>
      %dma_wait3A_267 = tpu.memref_squeeze %dma_wait3A_266 : memref<1x80xi32, #tpu.memory_space<vmem>> -> memref<80xi32, #tpu.memory_space<vmem>>
      %dma_wait3A_268 = arith.constant 0 : i32
      %dma_wait3A_269 = arith.constant 0 : i32
      %dma_wait3A_270 = tpu.memref_slice %arg8[%dma_wait3A_268, %dma_wait3A_269] : memref<10240x16xf32, #tpu.memory_space<vmem_shared>> -> memref<10240x16xf32, #tpu.memory_space<vmem_shared>>
      tpu.wait_indirect_dma semaphore(%arg17 : memref<!tpu.dma_semaphore, #tpu.memory_space<semaphore_mem>>) src(%arg13 : memref<80x16xf32, #tpu.memory_space<vmem>>) dst(%dma_wait3A_270 : memref<10240x16xf32, #tpu.memory_space<vmem_shared>>)
      %dma_wait3A_271 = arith.constant 3 : i32
      %dma_wait3A_272 = arith.constant 0 : i32
      %dma_wait3A_273 = tpu.memref_slice %arg10[%dma_wait3A_271, %dma_wait3A_272] : memref<10x80xi32, #tpu.memory_space<vmem>> -> memref<1x80xi32, #tpu.memory_space<vmem>>
      %dma_wait3A_274 = tpu.memref_squeeze %dma_wait3A_273 : memref<1x80xi32, #tpu.memory_space<vmem>> -> memref<80xi32, #tpu.memory_space<vmem>>
      %dma_wait3A_275 = arith.constant 0 : i32
      %dma_wait3A_276 = arith.constant 0 : i32
      %dma_wait3A_277 = tpu.memref_slice %arg8[%dma_wait3A_275, %dma_wait3A_276] : memref<10240x16xf32, #tpu.memory_space<vmem_shared>> -> memref<10240x16xf32, #tpu.memory_space<vmem_shared>>
      tpu.wait_indirect_dma semaphore(%arg17 : memref<!tpu.dma_semaphore, #tpu.memory_space<semaphore_mem>>) src(%arg13 : memref<80x16xf32, #tpu.memory_space<vmem>>) dst(%dma_wait3A_277 : memref<10240x16xf32, #tpu.memory_space<vmem_shared>>)
      %dma_wait3A_278 = arith.constant 4 : i32
      %dma_wait3A_279 = arith.constant 0 : i32
      %dma_wait3A_280 = tpu.memref_slice %arg10[%dma_wait3A_278, %dma_wait3A_279] : memref<10x80xi32, #tpu.memory_space<vmem>> -> memref<1x80xi32, #tpu.memory_space<vmem>>
      %dma_wait3A_281 = tpu.memref_squeeze %dma_wait3A_280 : memref<1x80xi32, #tpu.memory_space<vmem>> -> memref<80xi32, #tpu.memory_space<vmem>>
      %dma_wait3A_282 = arith.constant 0 : i32
      %dma_wait3A_283 = arith.constant 0 : i32
      %dma_wait3A_284 = tpu.memref_slice %arg8[%dma_wait3A_282, %dma_wait3A_283] : memref<10240x16xf32, #tpu.memory_space<vmem_shared>> -> memref<10240x16xf32, #tpu.memory_space<vmem_shared>>
      tpu.wait_indirect_dma semaphore(%arg17 : memref<!tpu.dma_semaphore, #tpu.memory_space<semaphore_mem>>) src(%arg13 : memref<80x16xf32, #tpu.memory_space<vmem>>) dst(%dma_wait3A_284 : memref<10240x16xf32, #tpu.memory_space<vmem_shared>>)
      %dma_wait3A_285 = arith.constant 5 : i32
      %dma_wait3A_286 = arith.constant 0 : i32
      %dma_wait3A_287 = tpu.memref_slice %arg10[%dma_wait3A_285, %dma_wait3A_286] : memref<10x80xi32, #tpu.memory_space<vmem>> -> memref<1x80xi32, #tpu.memory_space<vmem>>
      %dma_wait3A_288 = tpu.memref_squeeze %dma_wait3A_287 : memref<1x80xi32, #tpu.memory_space<vmem>> -> memref<80xi32, #tpu.memory_space<vmem>>
      %dma_wait3A_289 = arith.constant 0 : i32
      %dma_wait3A_290 = arith.constant 0 : i32
      %dma_wait3A_291 = tpu.memref_slice %arg8[%dma_wait3A_289, %dma_wait3A_290] : memref<10240x16xf32, #tpu.memory_space<vmem_shared>> -> memref<10240x16xf32, #tpu.memory_space<vmem_shared>>
      tpu.wait_indirect_dma semaphore(%arg17 : memref<!tpu.dma_semaphore, #tpu.memory_space<semaphore_mem>>) src(%arg13 : memref<80x16xf32, #tpu.memory_space<vmem>>) dst(%dma_wait3A_291 : memref<10240x16xf32, #tpu.memory_space<vmem_shared>>)
      %dma_wait3A_292 = arith.constant 6 : i32
      %dma_wait3A_293 = arith.constant 0 : i32
      %dma_wait3A_294 = tpu.memref_slice %arg10[%dma_wait3A_292, %dma_wait3A_293] : memref<10x80xi32, #tpu.memory_space<vmem>> -> memref<1x80xi32, #tpu.memory_space<vmem>>
      %dma_wait3A_295 = tpu.memref_squeeze %dma_wait3A_294 : memref<1x80xi32, #tpu.memory_space<vmem>> -> memref<80xi32, #tpu.memory_space<vmem>>
      %dma_wait3A_296 = arith.constant 0 : i32
      %dma_wait3A_297 = arith.constant 0 : i32
      %dma_wait3A_298 = tpu.memref_slice %arg8[%dma_wait3A_296, %dma_wait3A_297] : memref<10240x16xf32, #tpu.memory_space<vmem_shared>> -> memref<10240x16xf32, #tpu.memory_space<vmem_shared>>
      tpu.wait_indirect_dma semaphore(%arg17 : memref<!tpu.dma_semaphore, #tpu.memory_space<semaphore_mem>>) src(%arg13 : memref<80x16xf32, #tpu.memory_space<vmem>>) dst(%dma_wait3A_298 : memref<10240x16xf32, #tpu.memory_space<vmem_shared>>)
      %dma_wait3A_299 = arith.constant 7 : i32
      %dma_wait3A_300 = arith.constant 0 : i32
      %dma_wait3A_301 = tpu.memref_slice %arg10[%dma_wait3A_299, %dma_wait3A_300] : memref<10x80xi32, #tpu.memory_space<vmem>> -> memref<1x80xi32, #tpu.memory_space<vmem>>
      %dma_wait3A_302 = tpu.memref_squeeze %dma_wait3A_301 : memref<1x80xi32, #tpu.memory_space<vmem>> -> memref<80xi32, #tpu.memory_space<vmem>>
      %dma_wait3A_303 = arith.constant 0 : i32
      %dma_wait3A_304 = arith.constant 0 : i32
      %dma_wait3A_305 = tpu.memref_slice %arg8[%dma_wait3A_303, %dma_wait3A_304] : memref<10240x16xf32, #tpu.memory_space<vmem_shared>> -> memref<10240x16xf32, #tpu.memory_space<vmem_shared>>
      tpu.wait_indirect_dma semaphore(%arg17 : memref<!tpu.dma_semaphore, #tpu.memory_space<semaphore_mem>>) src(%arg13 : memref<80x16xf32, #tpu.memory_space<vmem>>) dst(%dma_wait3A_305 : memref<10240x16xf32, #tpu.memory_space<vmem_shared>>)
      %dma_wait3A_306 = arith.constant 8 : i32
      %dma_wait3A_307 = arith.constant 0 : i32
      %dma_wait3A_308 = tpu.memref_slice %arg10[%dma_wait3A_306, %dma_wait3A_307] : memref<10x80xi32, #tpu.memory_space<vmem>> -> memref<1x80xi32, #tpu.memory_space<vmem>>
      %dma_wait3A_309 = tpu.memref_squeeze %dma_wait3A_308 : memref<1x80xi32, #tpu.memory_space<vmem>> -> memref<80xi32, #tpu.memory_space<vmem>>
      %dma_wait3A_310 = arith.constant 0 : i32
      %dma_wait3A_311 = arith.constant 0 : i32
      %dma_wait3A_312 = tpu.memref_slice %arg8[%dma_wait3A_310, %dma_wait3A_311] : memref<10240x16xf32, #tpu.memory_space<vmem_shared>> -> memref<10240x16xf32, #tpu.memory_space<vmem_shared>>
      tpu.wait_indirect_dma semaphore(%arg17 : memref<!tpu.dma_semaphore, #tpu.memory_space<semaphore_mem>>) src(%arg13 : memref<80x16xf32, #tpu.memory_space<vmem>>) dst(%dma_wait3A_312 : memref<10240x16xf32, #tpu.memory_space<vmem_shared>>)
      %dma_wait3A_313 = arith.constant 9 : i32
      %dma_wait3A_314 = arith.constant 0 : i32
      %dma_wait3A_315 = tpu.memref_slice %arg10[%dma_wait3A_313, %dma_wait3A_314] : memref<10x80xi32, #tpu.memory_space<vmem>> -> memref<1x80xi32, #tpu.memory_space<vmem>>
      %dma_wait3A_316 = tpu.memref_squeeze %dma_wait3A_315 : memref<1x80xi32, #tpu.memory_space<vmem>> -> memref<80xi32, #tpu.memory_space<vmem>>
      %dma_wait3A_317 = arith.constant 0 : i32
      %dma_wait3A_318 = arith.constant 0 : i32
      %dma_wait3A_319 = tpu.memref_slice %arg8[%dma_wait3A_317, %dma_wait3A_318] : memref<10240x16xf32, #tpu.memory_space<vmem_shared>> -> memref<10240x16xf32, #tpu.memory_space<vmem_shared>>
      tpu.wait_indirect_dma semaphore(%arg17 : memref<!tpu.dma_semaphore, #tpu.memory_space<semaphore_mem>>) src(%arg13 : memref<80x16xf32, #tpu.memory_space<vmem>>) dst(%dma_wait3A_319 : memref<10240x16xf32, #tpu.memory_space<vmem_shared>>)
    }
    %scan3A_22 = arith.constant 25 : i32
    %barrier3A_23 = arith.constant 0 : index
    tpu.barrier barrier_id(%barrier3A_23)
    %scan3A_24 = arith.constant 0 : i32
    %scan3A_25 = arith.constant 8 : i32
    %scan3A_26 = arith.addi %scan3A_24, %scan3A_25 : i32
    %scan3A_27 = arith.constant 1 : i32
    scf.for %scan3A_29 = %scan3A_24 to %scan3A_26 step %scan3A_27  : i32 {
      %mul3A_30 = arith.constant 1 : i32
      %mul3A_31 = arith.muli %scan3A_29, %mul3A_30 : i32
      %add3A = arith.constant 0 : i32
      %add3A_32 = arith.addi %add3A, %mul3A_31 : i32
      %mul3A_33 = arith.constant 80 : i32
      %mul3A_34 = arith.muli %add3A_32, %mul3A_33 : i32
      %add3A_35 = arith.addi %mul3A_0, %mul3A_34 : i32
      "tpu.region"() ({
        %run_scoped3A = tpu.sem_alloc : memref<!tpu.dma_semaphore, #tpu.memory_space<semaphore_mem>>
        %dma_start3A = arith.constant 0 : i32
        %dma_start3A_45 = arith.constant 0 : i32
        %dma_start3A_46 = tpu.memref_slice %arg11[%dma_start3A, %dma_start3A_45] : memref<80x128xf32, #tpu.memory_space<vmem>> -> memref<80x128xf32, #tpu.memory_space<vmem>>
        %dma_start3A_47 = arith.constant 0 : i32
        %dma_start3A_48 = tpu.memref_slice %arg7[%add3A_35, %dma_start3A_47] : memref<10240x128xf32, #tpu.memory_space<vmem_shared>> -> memref<80x128xf32, #tpu.memory_space<vmem_shared>>
        %dma_start3A_49 = arith.constant 0 : i32
        %dma_start3A_50 = arith.constant 0 : i32
        %dma_start3A_51 = tpu.memref_slice %arg11[%dma_start3A_49, %dma_start3A_50] : memref<80x128xf32, #tpu.memory_space<vmem>> -> memref<80x128xf32, #tpu.memory_space<vmem>>
        %dma_start3A_52 = arith.constant 0 : i32
        %dma_start3A_53 = tpu.memref_slice %arg7[%add3A_35, %dma_start3A_52] : memref<10240x128xf32, #tpu.memory_space<vmem_shared>> -> memref<80x128xf32, #tpu.memory_space<vmem_shared>>
        tpu.enqueue_dma source(%dma_start3A_53 : memref<80x128xf32, #tpu.memory_space<vmem_shared>>) target(%dma_start3A_51 : memref<80x128xf32, #tpu.memory_space<vmem>>) target_semaphore(%run_scoped3A : memref<!tpu.dma_semaphore, #tpu.memory_space<semaphore_mem>>)
        %dma_wait3A = arith.constant 0 : i32
        %dma_wait3A_54 = arith.constant 0 : i32
        %dma_wait3A_55 = tpu.memref_slice %arg11[%dma_wait3A, %dma_wait3A_54] : memref<80x128xf32, #tpu.memory_space<vmem>> -> memref<80x128xf32, #tpu.memory_space<vmem>>
        %dma_wait3A_56 = arith.constant 0 : i32
        %dma_wait3A_57 = tpu.memref_slice %arg7[%add3A_35, %dma_wait3A_56] : memref<10240x128xf32, #tpu.memory_space<vmem_shared>> -> memref<80x128xf32, #tpu.memory_space<vmem_shared>>
        %dma_wait3A_58 = arith.constant 0 : i32
        %dma_wait3A_59 = arith.constant 0 : i32
        %dma_wait3A_60 = tpu.memref_slice %arg11[%dma_wait3A_58, %dma_wait3A_59] : memref<80x128xf32, #tpu.memory_space<vmem>> -> memref<80x128xf32, #tpu.memory_space<vmem>>
        %dma_wait3A_61 = arith.constant 0 : i32
        %dma_wait3A_62 = tpu.memref_slice %arg7[%add3A_35, %dma_wait3A_61] : memref<10240x128xf32, #tpu.memory_space<vmem_shared>> -> memref<80x128xf32, #tpu.memory_space<vmem_shared>>
        tpu.wait_dma2 semaphore(%run_scoped3A : memref<!tpu.dma_semaphore, #tpu.memory_space<semaphore_mem>>) src(%dma_wait3A_62 : memref<80x128xf32, #tpu.memory_space<vmem_shared>>) dst(%dma_wait3A_60 : memref<80x128xf32, #tpu.memory_space<vmem>>)
        tpu.yield
      }) : () -> ()
      %mul3A_36 = arith.constant 80 : i32
      %mul3A_37 = arith.muli %add3A_32, %mul3A_36 : i32
      %add3A_38 = arith.addi %mul3A_0, %mul3A_37 : i32
      "tpu.region"() ({
        %run_scoped3A = tpu.sem_alloc : memref<!tpu.dma_semaphore, #tpu.memory_space<semaphore_mem>>
        %dma_start3A = arith.constant 0 : i32
        %dma_start3A_45 = arith.constant 0 : i32
        %dma_start3A_46 = tpu.memref_slice %arg11[%dma_start3A, %dma_start3A_45] : memref<80x128xf32, #tpu.memory_space<vmem>> -> memref<80x128xf32, #tpu.memory_space<vmem>>
        %dma_start3A_47 = arith.constant 0 : i32
        %dma_start3A_48 = tpu.memref_slice %arg5[%arg0, %add3A_38, %dma_start3A_47] : memref<2x10240x128xf32, #tpu.memory_space<hbm>> -> memref<1x80x128xf32, #tpu.memory_space<hbm>>
        %dma_start3A_49 = tpu.memref_squeeze %dma_start3A_48 : memref<1x80x128xf32, #tpu.memory_space<hbm>> -> memref<80x128xf32, #tpu.memory_space<hbm>>
        %dma_start3A_50 = arith.constant 0 : i32
        %dma_start3A_51 = tpu.memref_slice %arg5[%arg0, %add3A_38, %dma_start3A_50] : memref<2x10240x128xf32, #tpu.memory_space<hbm>> -> memref<1x80x128xf32, #tpu.memory_space<hbm>>
        %dma_start3A_52 = tpu.memref_squeeze %dma_start3A_51 : memref<1x80x128xf32, #tpu.memory_space<hbm>> -> memref<80x128xf32, #tpu.memory_space<hbm>>
        %dma_start3A_53 = arith.constant 0 : i32
        %dma_start3A_54 = arith.constant 0 : i32
        %dma_start3A_55 = tpu.memref_slice %arg11[%dma_start3A_53, %dma_start3A_54] : memref<80x128xf32, #tpu.memory_space<vmem>> -> memref<80x128xf32, #tpu.memory_space<vmem>>
        tpu.enqueue_dma source(%dma_start3A_55 : memref<80x128xf32, #tpu.memory_space<vmem>>) target(%dma_start3A_52 : memref<80x128xf32, #tpu.memory_space<hbm>>) target_semaphore(%run_scoped3A : memref<!tpu.dma_semaphore, #tpu.memory_space<semaphore_mem>>)
        %dma_wait3A = arith.constant 0 : i32
        %dma_wait3A_56 = arith.constant 0 : i32
        %dma_wait3A_57 = tpu.memref_slice %arg11[%dma_wait3A, %dma_wait3A_56] : memref<80x128xf32, #tpu.memory_space<vmem>> -> memref<80x128xf32, #tpu.memory_space<vmem>>
        %dma_wait3A_58 = arith.constant 0 : i32
        %dma_wait3A_59 = tpu.memref_slice %arg5[%arg0, %add3A_38, %dma_wait3A_58] : memref<2x10240x128xf32, #tpu.memory_space<hbm>> -> memref<1x80x128xf32, #tpu.memory_space<hbm>>
        %dma_wait3A_60 = tpu.memref_squeeze %dma_wait3A_59 : memref<1x80x128xf32, #tpu.memory_space<hbm>> -> memref<80x128xf32, #tpu.memory_space<hbm>>
        %dma_wait3A_61 = arith.constant 0 : i32
        %dma_wait3A_62 = tpu.memref_slice %arg5[%arg0, %add3A_38, %dma_wait3A_61] : memref<2x10240x128xf32, #tpu.memory_space<hbm>> -> memref<1x80x128xf32, #tpu.memory_space<hbm>>
        %dma_wait3A_63 = tpu.memref_squeeze %dma_wait3A_62 : memref<1x80x128xf32, #tpu.memory_space<hbm>> -> memref<80x128xf32, #tpu.memory_space<hbm>>
        %dma_wait3A_64 = arith.constant 0 : i32
        %dma_wait3A_65 = arith.constant 0 : i32
        %dma_wait3A_66 = tpu.memref_slice %arg11[%dma_wait3A_64, %dma_wait3A_65] : memref<80x128xf32, #tpu.memory_space<vmem>> -> memref<80x128xf32, #tpu.memory_space<vmem>>
        tpu.wait_dma2 semaphore(%run_scoped3A : memref<!tpu.dma_semaphore, #tpu.memory_space<semaphore_mem>>) src(%dma_wait3A_66 : memref<80x128xf32, #tpu.memory_space<vmem>>) dst(%dma_wait3A_63 : memref<80x128xf32, #tpu.memory_space<hbm>>)
        tpu.yield
      }) : () -> ()
      %mul3A_39 = arith.constant 80 : i32
      %mul3A_40 = arith.muli %add3A_32, %mul3A_39 : i32
      %add3A_41 = arith.addi %mul3A_0, %mul3A_40 : i32
      "tpu.region"() ({
        %run_scoped3A = tpu.sem_alloc : memref<!tpu.dma_semaphore, #tpu.memory_space<semaphore_mem>>
        %dma_start3A = arith.constant 0 : i32
        %dma_start3A_45 = tpu.memref_slice %arg8[%add3A_41, %dma_start3A] : memref<10240x16xf32, #tpu.memory_space<vmem_shared>> -> memref<80x16xf32, #tpu.memory_space<vmem_shared>>
        %dma_start3A_46 = arith.constant 0 : i32
        %dma_start3A_47 = tpu.memref_slice %arg8[%add3A_41, %dma_start3A_46] : memref<10240x16xf32, #tpu.memory_space<vmem_shared>> -> memref<80x16xf32, #tpu.memory_space<vmem_shared>>
        tpu.enqueue_dma source(%dma_start3A_47 : memref<80x16xf32, #tpu.memory_space<vmem_shared>>) target(%arg14 : memref<80x16xf32, #tpu.memory_space<vmem>>) target_semaphore(%run_scoped3A : memref<!tpu.dma_semaphore, #tpu.memory_space<semaphore_mem>>)
        %dma_wait3A = arith.constant 0 : i32
        %dma_wait3A_48 = tpu.memref_slice %arg8[%add3A_41, %dma_wait3A] : memref<10240x16xf32, #tpu.memory_space<vmem_shared>> -> memref<80x16xf32, #tpu.memory_space<vmem_shared>>
        %dma_wait3A_49 = arith.constant 0 : i32
        %dma_wait3A_50 = tpu.memref_slice %arg8[%add3A_41, %dma_wait3A_49] : memref<10240x16xf32, #tpu.memory_space<vmem_shared>> -> memref<80x16xf32, #tpu.memory_space<vmem_shared>>
        tpu.wait_dma2 semaphore(%run_scoped3A : memref<!tpu.dma_semaphore, #tpu.memory_space<semaphore_mem>>) src(%dma_wait3A_50 : memref<80x16xf32, #tpu.memory_space<vmem_shared>>) dst(%arg14 : memref<80x16xf32, #tpu.memory_space<vmem>>)
        tpu.yield
      }) : () -> ()
      %mul3A_42 = arith.constant 80 : i32
      %mul3A_43 = arith.muli %add3A_32, %mul3A_42 : i32
      %add3A_44 = arith.addi %mul3A_0, %mul3A_43 : i32
      "tpu.region"() ({
        %run_scoped3A = tpu.sem_alloc : memref<!tpu.dma_semaphore, #tpu.memory_space<semaphore_mem>>
        %dma_start3A = arith.constant 0 : i32
        %dma_start3A_45 = tpu.memref_slice %arg6[%arg0, %add3A_44, %dma_start3A] : memref<2x10240x16xf32, #tpu.memory_space<hbm>> -> memref<1x80x16xf32, #tpu.memory_space<hbm>>
        %dma_start3A_46 = tpu.memref_squeeze %dma_start3A_45 : memref<1x80x16xf32, #tpu.memory_space<hbm>> -> memref<80x16xf32, #tpu.memory_space<hbm>>
        %dma_start3A_47 = arith.constant 0 : i32
        %dma_start3A_48 = tpu.memref_slice %arg6[%arg0, %add3A_44, %dma_start3A_47] : memref<2x10240x16xf32, #tpu.memory_space<hbm>> -> memref<1x80x16xf32, #tpu.memory_space<hbm>>
        %dma_start3A_49 = tpu.memref_squeeze %dma_start3A_48 : memref<1x80x16xf32, #tpu.memory_space<hbm>> -> memref<80x16xf32, #tpu.memory_space<hbm>>
        tpu.enqueue_dma source(%arg14 : memref<80x16xf32, #tpu.memory_space<vmem>>) target(%dma_start3A_49 : memref<80x16xf32, #tpu.memory_space<hbm>>) target_semaphore(%run_scoped3A : memref<!tpu.dma_semaphore, #tpu.memory_space<semaphore_mem>>)
        %dma_wait3A = arith.constant 0 : i32
        %dma_wait3A_50 = tpu.memref_slice %arg6[%arg0, %add3A_44, %dma_wait3A] : memref<2x10240x16xf32, #tpu.memory_space<hbm>> -> memref<1x80x16xf32, #tpu.memory_space<hbm>>
        %dma_wait3A_51 = tpu.memref_squeeze %dma_wait3A_50 : memref<1x80x16xf32, #tpu.memory_space<hbm>> -> memref<80x16xf32, #tpu.memory_space<hbm>>
        %dma_wait3A_52 = arith.constant 0 : i32
        %dma_wait3A_53 = tpu.memref_slice %arg6[%arg0, %add3A_44, %dma_wait3A_52] : memref<2x10240x16xf32, #tpu.memory_space<hbm>> -> memref<1x80x16xf32, #tpu.memory_space<hbm>>
        %dma_wait3A_54 = tpu.memref_squeeze %dma_wait3A_53 : memref<1x80x16xf32, #tpu.memory_space<hbm>> -> memref<80x16xf32, #tpu.memory_space<hbm>>
        tpu.wait_dma2 semaphore(%run_scoped3A : memref<!tpu.dma_semaphore, #tpu.memory_space<semaphore_mem>>) src(%arg14 : memref<80x16xf32, #tpu.memory_space<vmem>>) dst(%dma_wait3A_54 : memref<80x16xf32, #tpu.memory_space<hbm>>)
        tpu.yield
      }) : () -> ()
    }
    %scan3A_28 = arith.constant 8 : i32
    return
  }
}

module attributes {stable_mosaic.version = 14 : i64} {
  func.func @_tc_body(%arg0: i32, %arg1: memref<2x1000x128xf32, #tpu.memory_space<vmem>>, %arg2: memref<2x1000x16xf32, #tpu.memory_space<vmem>>, %arg3: memref<1000x128xf32, #tpu.memory_space<vmem>>, %arg4: memref<2x128x128xf32, #tpu.memory_space<vmem>>, %arg5: memref<2x1x128xf32, #tpu.memory_space<vmem>>, %arg6: memref<128x128xf32, #tpu.memory_space<vmem>>, %arg7: memref<1x128xf32, #tpu.memory_space<vmem>>, %arg8: memref<1000x128xf32, #tpu.memory_space<vmem>>) attributes {dimension_semantics = [#tpu.dimension_semantics<arbitrary>], iteration_bounds = array<i64: 10>, scalar_prefetch = 0 : i64, scratch_operands = 0 : i64, tpu.core_type = #tpu.core_type<tc>, window_params = [{transform_indices = @transform_0, window_bounds = array<i64: 2, 1000, 128>}, {transform_indices = @transform_1, window_bounds = array<i64: 2, 1000, 16>}, {transform_indices = @transform_2, window_bounds = array<i64: 1000, 128>}, {pipeline_mode = #tpu.pipeline_mode<synchronous>, transform_indices = @transform_3, window_bounds = array<i64: 2, 128, 128>}, {pipeline_mode = #tpu.pipeline_mode<synchronous>, transform_indices = @transform_4, window_bounds = array<i64: 2, 1, 128>}, {pipeline_mode = #tpu.pipeline_mode<synchronous>, transform_indices = @transform_5, window_bounds = array<i64: 128, 128>}, {pipeline_mode = #tpu.pipeline_mode<synchronous>, transform_indices = @transform_6, window_bounds = array<i64: 1, 128>}, {transform_indices = @transform_7, window_bounds = array<i64: 1000, 128>}]} {
    %get3A = arith.constant 0 : index
    %get3A_0 = arith.constant 0 : index
    %get3A_1 = arith.constant 0 : index
    %get3A_2 = vector.load %arg1[%get3A, %get3A_0, %get3A_1] : memref<2x1000x128xf32, #tpu.memory_space<vmem>>, vector<1x1000x128xf32>
    %get3A_3 = vector.shape_cast %get3A_2 : vector<1x1000x128xf32> to vector<1000x128xf32>
    %get3A_4 = arith.constant 0 : index
    %get3A_5 = arith.constant 0 : index
    %get3A_6 = arith.constant 0 : index
    %get3A_7 = vector.load %arg4[%get3A_4, %get3A_5, %get3A_6] : memref<2x128x128xf32, #tpu.memory_space<vmem>>, vector<1x128x128xf32>
    %get3A_8 = vector.shape_cast %get3A_7 : vector<1x128x128xf32> to vector<128x128xf32>
    %dot_general3A = arith.constant dense<0.000000e+00> : vector<1000x128xf32>
    %dot_general3A_9 = tpu.matmul %get3A_3, %get3A_8, %dot_general3A {dimension_numbers = #tpu.dot_dimension_numbers<[1], [0], [0], [1], [0, 0, 1, 1], [], []>, precision = #tpu.contract_precision<fp32>, transpose_lhs_hint = false} : vector<1000x128xf32>, vector<128x128xf32>, vector<1000x128xf32> -> vector<1000x128xf32>
    %get3A_10 = arith.constant 1 : index
    %get3A_11 = arith.constant 0 : index
    %get3A_12 = arith.constant 0 : index
    %get3A_13 = vector.load %arg1[%get3A_10, %get3A_11, %get3A_12] : memref<2x1000x128xf32, #tpu.memory_space<vmem>>, vector<1x1000x128xf32>
    %get3A_14 = vector.shape_cast %get3A_13 : vector<1x1000x128xf32> to vector<1000x128xf32>
    %get3A_15 = arith.constant 1 : index
    %get3A_16 = arith.constant 0 : index
    %get3A_17 = arith.constant 0 : index
    %get3A_18 = vector.load %arg4[%get3A_15, %get3A_16, %get3A_17] : memref<2x128x128xf32, #tpu.memory_space<vmem>>, vector<1x128x128xf32>
    %get3A_19 = vector.shape_cast %get3A_18 : vector<1x128x128xf32> to vector<128x128xf32>
    %dot_general3A_20 = arith.constant dense<0.000000e+00> : vector<1000x128xf32>
    %dot_general3A_21 = tpu.matmul %get3A_14, %get3A_19, %dot_general3A_20 {dimension_numbers = #tpu.dot_dimension_numbers<[1], [0], [0], [1], [0, 0, 1, 1], [], []>, precision = #tpu.contract_precision<fp32>, transpose_lhs_hint = false} : vector<1000x128xf32>, vector<128x128xf32>, vector<1000x128xf32> -> vector<1000x128xf32>
    %add3A = arith.addf %dot_general3A_9, %dot_general3A_21 : vector<1000x128xf32>
    %get3A_22 = arith.constant 0 : index
    %get3A_23 = arith.constant 0 : index
    %get3A_24 = vector.load %arg3[%get3A_22, %get3A_23] : memref<1000x128xf32, #tpu.memory_space<vmem>>, vector<1000x128xf32>
    %get3A_25 = arith.constant 0 : index
    %get3A_26 = arith.constant 0 : index
    %get3A_27 = vector.load %arg6[%get3A_25, %get3A_26] : memref<128x128xf32, #tpu.memory_space<vmem>>, vector<128x128xf32>
    %dot_general3A_28 = arith.constant dense<0.000000e+00> : vector<1000x128xf32>
    %dot_general3A_29 = tpu.matmul %get3A_24, %get3A_27, %dot_general3A_28 {dimension_numbers = #tpu.dot_dimension_numbers<[1], [0], [0], [1], [0, 0, 1, 1], [], []>, precision = #tpu.contract_precision<fp32>, transpose_lhs_hint = false} : vector<1000x128xf32>, vector<128x128xf32>, vector<1000x128xf32> -> vector<1000x128xf32>
    %add3A_30 = arith.addf %add3A, %dot_general3A_29 : vector<1000x128xf32>
    %get3A_31 = arith.constant 0 : index
    %get3A_32 = arith.constant 0 : index
    %get3A_33 = arith.constant 0 : index
    %get3A_34 = vector.load %arg2[%get3A_31, %get3A_32, %get3A_33] : memref<2x1000x16xf32, #tpu.memory_space<vmem>>, vector<1x1000x1xf32>
    %get3A_35 = vector.shape_cast %get3A_34 : vector<1x1000x1xf32> to vector<1000x1xf32>
    %get3A_36 = arith.constant 0 : index
    %get3A_37 = arith.constant 0 : index
    %get3A_38 = arith.constant 0 : index
    %get3A_39 = vector.load %arg5[%get3A_36, %get3A_37, %get3A_38] : memref<2x1x128xf32, #tpu.memory_space<vmem>>, vector<1x1x128xf32>
    %get3A_40 = vector.shape_cast %get3A_39 : vector<1x1x128xf32> to vector<1x128xf32>
    %mul3A = vector.broadcast %get3A_35 : vector<1000x1xf32> to vector<1000x128xf32>
    %mul3A_41 = vector.broadcast %get3A_40 : vector<1x128xf32> to vector<1000x128xf32>
    %mul3A_42 = arith.mulf %mul3A, %mul3A_41 : vector<1000x128xf32>
    %add3A_43 = arith.addf %add3A_30, %mul3A_42 : vector<1000x128xf32>
    %get3A_44 = arith.constant 1 : index
    %get3A_45 = arith.constant 0 : index
    %get3A_46 = arith.constant 0 : index
    %get3A_47 = vector.load %arg2[%get3A_44, %get3A_45, %get3A_46] : memref<2x1000x16xf32, #tpu.memory_space<vmem>>, vector<1x1000x1xf32>
    %get3A_48 = vector.shape_cast %get3A_47 : vector<1x1000x1xf32> to vector<1000x1xf32>
    %get3A_49 = arith.constant 1 : index
    %get3A_50 = arith.constant 0 : index
    %get3A_51 = arith.constant 0 : index
    %get3A_52 = vector.load %arg5[%get3A_49, %get3A_50, %get3A_51] : memref<2x1x128xf32, #tpu.memory_space<vmem>>, vector<1x1x128xf32>
    %get3A_53 = vector.shape_cast %get3A_52 : vector<1x1x128xf32> to vector<1x128xf32>
    %mul3A_54 = vector.broadcast %get3A_48 : vector<1000x1xf32> to vector<1000x128xf32>
    %mul3A_55 = vector.broadcast %get3A_53 : vector<1x128xf32> to vector<1000x128xf32>
    %mul3A_56 = arith.mulf %mul3A_54, %mul3A_55 : vector<1000x128xf32>
    %add3A_57 = arith.addf %add3A_43, %mul3A_56 : vector<1000x128xf32>
    %get3A_58 = arith.constant 0 : index
    %get3A_59 = arith.constant 0 : index
    %get3A_60 = vector.load %arg7[%get3A_58, %get3A_59] : memref<1x128xf32, #tpu.memory_space<vmem>>, vector<1x128xf32>
    %add3A_61 = vector.broadcast %get3A_60 : vector<1x128xf32> to vector<1000x128xf32>
    %add3A_62 = arith.addf %add3A_57, %add3A_61 : vector<1000x128xf32>
    %swap3A = arith.constant 0 : index
    %swap3A_63 = arith.constant 0 : index
    %swap3A_64 = vector.load %arg8[%swap3A, %swap3A_63] : memref<1000x128xf32, #tpu.memory_space<vmem>>, vector<1000x128xf32>
    tpu.vector_store %arg8[%swap3A, %swap3A_63], %add3A_62 {strides = array<i32>} : memref<1000x128xf32, #tpu.memory_space<vmem>>, vector<1000x128xf32>,
    return
  }
  func.func @transform_0(%arg0: i32) -> (i32, i32, i32) {
    %c0_i32 = arith.constant 0 : i32
    %c0_i32_0 = arith.constant 0 : i32
    %c0_i32_1 = arith.constant 0 : i32
    return %c0_i32, %arg0, %c0_i32_0 : i32, i32, i32
  }
  func.func @transform_1(%arg0: i32) -> (i32, i32, i32) {
    %c0_i32 = arith.constant 0 : i32
    %c0_i32_0 = arith.constant 0 : i32
    %c0_i32_1 = arith.constant 0 : i32
    return %c0_i32, %arg0, %c0_i32_0 : i32, i32, i32
  }
  func.func @transform_2(%arg0: i32) -> (i32, i32) {
    %c0_i32 = arith.constant 0 : i32
    %c0_i32_0 = arith.constant 0 : i32
    return %arg0, %c0_i32 : i32, i32
  }
  func.func @transform_3(%arg0: i32) -> (i32, i32, i32) {
    %c0_i32 = arith.constant 0 : i32
    %c0_i32_0 = arith.constant 0 : i32
    %c0_i32_1 = arith.constant 0 : i32
    %c0_i32_2 = arith.constant 0 : i32
    return %c0_i32, %c0_i32_0, %c0_i32_1 : i32, i32, i32
  }
  func.func @transform_4(%arg0: i32) -> (i32, i32, i32) {
    %c0_i32 = arith.constant 0 : i32
    %c0_i32_0 = arith.constant 0 : i32
    %c0_i32_1 = arith.constant 0 : i32
    %c0_i32_2 = arith.constant 0 : i32
    return %c0_i32, %c0_i32_0, %c0_i32_1 : i32, i32, i32
  }
  func.func @transform_5(%arg0: i32) -> (i32, i32) {
    %c0_i32 = arith.constant 0 : i32
    %c0_i32_0 = arith.constant 0 : i32
    %c0_i32_1 = arith.constant 0 : i32
    return %c0_i32, %c0_i32_0 : i32, i32
  }
  func.func @transform_6(%arg0: i32) -> (i32, i32) {
    %c0_i32 = arith.constant 0 : i32
    %c0_i32_0 = arith.constant 0 : i32
    %c0_i32_1 = arith.constant 0 : i32
    return %c0_i32, %c0_i32_0 : i32, i32
  }
  func.func @transform_7(%arg0: i32) -> (i32, i32) {
    %c0_i32 = arith.constant 0 : i32
    %c0_i32_0 = arith.constant 0 : i32
    return %arg0, %c0_i32 : i32, i32
  }
}

</mosaic_0001>

<sc_bundles>
// kernel: kernel.4.cloned.1.call-start
scs
__scs_entry_jumppad:
0x0: {  	(pc) =	sbr.rel $0x88, $3  }
0x1: {  	(tag) =	ssettag $0x0;
	lr =	simm.s32 $0x1  }
0x2: {  	[smem:$0x3F9B] =	sst lr;
	_ =	strace $0xD0000000  }
0x3: {  	_ = 	snop  }
0x4: {  	_ = 	snop  }
0x5: {  	_ = 	snop  }
0x6: {  	_ = 	snop  }
0x7: {  	_ = 	snop  }
__scs_overlays_trampoline_lowered:
0x8: {  	[smem:$0x3FAA] =	sst s0  }
0x9: {  	[smem:$0x3FAB] =	sst s1  }
0xa: {  	[smem:$0x3FAC] =	sst s2  }
0xb: {  	[smem:$0x3FAD] =	sst s3  }
0xc: {  	[smem:$0x3FAE] =	sst s4  }
0xd: {  	[smem:$0x3FAF] =	sst s5  }
0xe: {  	[smem:$0x3FB0] =	sst s6  }
0xf: {  	[smem:$0x3FB1] =	sst s7  }
0x10: {  	[smem:$0x3FB2] =	sst s8  }
0x11: {  	[smem:$0x3FB3] =	sst s9;
	s0 =	simm.s32 @!p0 $0x0  }
0x12: {  	s1 =	sld [smem:$0x3F99];
	s0 =	simm.s32 @p0 $0x1  }
0x13: {  	[smem:$0x3FB4] =	sst s0;
	s0 =	simm.s32 @!p1 $0x0  }
0x14: {  	s2 =	sld [smem:$0x3F98];
	s0 =	simm.s32 @p1 $0x1  }
0x15: {  	[smem:$0x3FB5] =	sst s0;
	s0 =	simm.s32 @!p2 $0x0  }
0x16: {  	s3 =	sld [smem:$0x3FDB];
	s0 =	simm.s32 @p2 $0x1  }
0x17: {  	s4 =	simm.s32 $0x1BF5;
	[smem:$0x3FB7] =	sst s0  }
0x18: {  	s0 =	sld [smem:$0x3F9A];
	_ =	swait.ge [sflag:s4], $0x0  }
0x19: {  	s7 =	sld [smem:$0x3F9B]  }
0x1a: {  	s8 =	sadd.s32 $0xFFFFE003, lr  }
0x1b: {  	s9 =	sadd.s32 $0xFFFFFEF7, lr;
	s5 =	simm.s32 $0xFFFFFFFF;
	p2 =	slt.u32 s8, $0xFFFFF086  }
0x1c: {  	p1 =	slt.u32 s9, $0xF7A;
	s5 =	simm.s32 @!p2 $0x0  }
0x1d: {  	s5 =	simm.s32 @p1 $0x1;
	p0 =	seq.s32 s7, s2  }
0x1e: {  	s7 =	smul.u32 @!p0 $0xF7A, s2;
	p2 =	seq.s32 @!p0 s5, $0x0  }
0x1f: {  	s9 =	smul.u32 $0xF7A, s1;
	s8 =	simm.s32 @!p0 $0x1BF5;
	p2 =	por !p2, p0  }
0x20: {  	[sflag:s8] =	ssyncset.s32 @!p0 $0xFFFFF086;
	s6 =	sadd.s32 @!p0 s3, s7;
	s7 =	simm.s32 @!p0 $0x108  }
0x21: {  	s3 =	sadd.s32 s3, s9;
	s6 =	sadd.s32 @!p0 $0x88, s6;
	s7 =	simm.s32 @p2 $0x1082  }
0x22: {  	[simem:s7], [sflag:s8] =	dma.local @!p0 [hbm:s6], $0xF7A  }
0x23: {  	s9 =	sor.u32 $0xD0000000, s2;
	s6 =	simm.s32 $0x108;
	_ =	swait.ge @!p0 [sflag:s8], $0x0  }
0x24: {  	s3 =	sadd.s32 $0x88, s3;
	s6 =	simm.s32 @!p1 $0x1082;
	[sflag:s4] =	ssyncset.s32 $0xFFFFF086  }
0x25: {  	[simem:s6], [sflag:s4] =	dma.local [hbm:s3], $0xF7A  }
0x26: {  	[smem:$0x3F9B] =	sst s1;
	(tag) =	ssettag s2;
	_ =	strace s9  }
0x27: {  	s1 =	sld [smem:$0x3FAB]  }
0x28: {  	s2 =	sld [smem:$0x3FAC]  }
0x29: {  	s4 =	sld [smem:$0x3FAE]  }
0x2a: {  	p0 =	seq.s32 s5, $0x0;
	s5 =	sld [smem:$0x3FAF]  }
0x2b: {  	s6 =	sld [smem:$0x3FB0]  }
0x2c: {  	s7 =	sld [smem:$0x3FB1]  }
0x2d: {  	s3 =	simm.s32 $0x108;
	s8 =	sld [smem:$0x3FB2]  }
0x2e: {  	s3 =	simm.s32 @!p0 $0x1082;
	s9 =	sld [smem:$0x3FB3]  }
0x2f: {  	lr =	sadd.s32 s0, s3;
	s0 =	sld [smem:$0x3FAA]  }
0x30: {  	s3 =	sld [smem:$0x3FAD]  }
0x31: {  	[smem:$0x3FB6] =	sst s10  }
0x32: {  	s10 =	sld [smem:$0x3FB4];
	_ =	sdelay $0x3  }
0x33: {  	p0 =	seq.s32 s10, $0x1;
	s10 =	sld [smem:$0x3FB6];
	_ =	sdelay $0x3  }
0x34: {  	[smem:$0x3FB6] =	sst s10  }
0x35: {  	s10 =	sld [smem:$0x3FB5];
	_ =	sdelay $0x3  }
0x36: {  	p1 =	seq.s32 s10, $0x1;
	s10 =	sld [smem:$0x3FB6];
	_ =	sdelay $0x3  }
0x37: {  	[smem:$0x3FB6] =	sst s10  }
0x38: {  	s10 =	sld [smem:$0x3FB7]  }
0x39: {  	_ = 	snop;
	(pc) =	sbr.ind lr, $3  }
0x3a: {  	_ = 	snop  }
0x3b: {  	_ = 	snop  }
0x3c: {  	p2 =	seq.s32 s10, $0x1;
	s10 =	sld [smem:$0x3FB6]  }
0x3d: {  	_ =	shalt  }
0x3e: {  	_ =	shalt  }
0x3f: {  	_ =	shalt  }
0x40: {  	_ =	shalt  }
0x41: {  	_ =	shalt  }
0x42: {  	_ =	shalt  }
0x43: {  	_ =	shalt  }
0x44: {  	_ =	shalt  }
0x45: {  	_ =	shalt  }
0x46: {  	_ =	shalt  }
0x47: {  	_ =	shalt  }
0x48: {  	_ =	shalt  }
0x49: {  	_ =	shalt  }
0x4a: {  	_ =	shalt  }
0x4b: {  	_ =	shalt  }
0x4c: {  	_ =	shalt  }
0x4d: {  	_ =	shalt  }
0x4e: {  	_ =	shalt  }
0x4f: {  	_ =	shalt  }
0x50: {  	_ =	shalt  }
0x51: {  	_ =	shalt  }
0x52: {  	_ =	shalt  }
0x53: {  	_ =	shalt  }
0x54: {  	_ =	shalt  }
0x55: {  	_ =	shalt  }
0x56: {  	_ =	shalt  }
0x57: {  	_ =	shalt  }
0x58: {  	_ =	shalt  }
0x59: {  	_ =	shalt  }
0x5a: {  	_ =	shalt  }
0x5b: {  	_ =	shalt  }
0x5c: {  	_ =	shalt  }
0x5d: {  	_ =	shalt  }
0x5e: {  	_ =	shalt  }
0x5f: {  	_ =	shalt  }
0x60: {  	_ =	shalt  }
0x61: {  	_ =	shalt  }
0x62: {  	_ =	shalt  }
0x63: {  	_ =	shalt  }
0x64: {  	_ =	shalt  }
0x65: {  	_ =	shalt  }
0x66: {  	_ =	shalt  }
0x67: {  	_ =	shalt  }
0x68: {  	_ =	shalt  }
0x69: {  	_ =	shalt  }
0x6a: {  	_ =	shalt  }
0x6b: {  	_ =	shalt  }
0x6c: {  	_ =	shalt  }
0x6d: {  	_ =	shalt  }
0x6e: {  	_ =	shalt  }
0x6f: {  	_ =	shalt  }
0x70: {  	_ =	shalt  }
0x71: {  	_ =	shalt  }
0x72: {  	_ =	shalt  }
0x73: {  	_ =	shalt  }
0x74: {  	_ =	shalt  }
0x75: {  	_ =	shalt  }
0x76: {  	_ =	shalt  }
0x77: {  	_ =	shalt  }
0x78: {  	_ =	shalt  }
0x79: {  	_ =	shalt  }
0x7a: {  	_ =	shalt  }
0x7b: {  	_ =	shalt  }
0x7c: {  	_ =	shalt  }
0x7d: {  	_ =	shalt  }
0x7e: {  	_ =	shalt  }
0x7f: {  	_ =	shalt  }
0x80: {  	_ =	shalt  }
0x81: {  	_ =	shalt  }
0x82: {  	_ =	shalt  }
0x83: {  	_ =	shalt  }
0x84: {  	_ =	shalt  }
0x85: {  	_ =	shalt  }
0x86: {  	_ =	shalt  }
0x87: {  	_ =	shalt  }
.Lfunc_end0:
.L_simem_size_0:
called_computation_lowered:
.L_overlay_start_0:
0x88: {  	s2 =	sld [smem:$0x3FD9]  }
0x89: {  	s3 =	sld [smem:$0x3FFE];
	_ =	sdelay $0x1  }
0x8a: {  	s1 =	srdreg.scid  }
0x8b: {  	s0 =	sand.u32 $0x1, s1  }
0x8c: {  	s17 =	sshll.u32 s0, $0xA;
	s2 =	sadd.s32 s3, s2  }
0x8d: {  	s2 =	sadd.s32 s2, s17  }
0x8e: {  	[smem:$0x3FC2] =	sst s2  }
0x8f: {  	_ = 	snop  }
0x90: {  	s2 =	sld [smem:$0x3FC9]  }
0x91: {  	s18 =	sld [smem:$0x3FD0];
	(tm) =	ssettm $0x1  }
0x92: {  	s4 =	sld [smem:$0x3FFB];
	_ =	sdelay $0x3  }
0x93: {  	_ =	strace s4  }
0x94: {  	s4 =	sld [smem:$0x3FFC];
	_ =	sdelay $0x3  }
0x95: {  	_ =	strace s4  }
0x96: {  	s4 =	sld [smem:$0x3FFD];
	_ =	sdelay $0x3  }
0x97: {  	_ =	strace s4  }
0x98: {  	_ =	strace $0x8FFFFFFF  }
0x99: {  	s19 =	sld [smem:$0x3FDB];
	_ =	sdelay $0x1  }
0x9a: {  	s5 =	simm.s32 $_scs_section_size  }
0x9b: {  	s6 =	simm.s32 $_size__tile_overlayer_lowered;
	s7 =	simm.s32 $_tile_overlayer_lowered  }
0x9c: {  	s22 =	simm.s32 $0x1BFF;
	s21 =	sshll.u32 s7, $0x1;
	s4 =	sadd.s32 s5, s19  }
0x9d: {  	s8 =	simm.s32 $0x0;
	s20 =	sshll.u32 s6, $0x1;
	s6 =	sadd.s32 s21, s4  }
0x9e: {  	[timem:s8], [sflag:s22] =	dma.local [hbm:s6], s20  }
0x9f: {  	_ =	swait.ge [sflag:s22], s20  }
0xa0: {  	s5 =	ssub.s32 $0x0, s20;
	[sflag:s22] =	ssyncset.done $0x0  }
0xa1: {  	[sflag:s22] =	ssyncadd.s32 s5;
	_ =	sdelay $0x1  }
0xa2: {  	s23 =	simm.s32 $0x1B8B  }
0xa3: {  	_ =	swait.ge [sflag:s23], $0x1  }
0xa4: {  	[sflag:s23] =	ssyncset.done $0x0  }
0xa5: {  	s25 =	simm.s32 $0x1B8E;
	s24 =	sld [smem:$0x3FFE];
	[sflag:s23] =	ssyncadd.s32 $0xFFFFFFFF  }
0xa6: {  	s26 =	simm.s32 $execute0_lowered;
	[smem:$0x3FD2] =	sst s25  }
0xa7: {  	s6 =	sshll.u32 s26, $0x1;
	_ =	strace $0x80000046;
	[dreg:$0x1] =	wrdreg $0xFFFFFFFF  }
0xa8: {  	s28 =	simm.s32 $_size_execute0_lowered;
	s4 =	sadd.s32 s4, s6;
	[dreg:$0x0] =	wrdreg $0x0  }
0xa9: {  	s6 =	sshll.u32 s28, $0x1;
	[dreg:$0x2] =	wrdreg s4  }
0xaa: {  	[dreg:$0x3] =	wrdreg s6  }
0xab: {  	[dreg:$0x4] =	wrdreg $0xC0  }
0xac: {  	_ =	task [dreg:s8], $0x5FFFF  }
0xad: {  	[dreg:$0x1] =	wrdreg $0xFFFFFFFF  }
0xae: {  	[dreg:$0x0] =	wrdreg $0x60  }
0xaf: {  	[dreg:$0x2] =	wrdreg s2  }
0xb0: {  	[dreg:$0x3] =	wrdreg s24  }
0xb1: {  	[dreg:$0x4] =	wrdreg s18  }
0xb2: {  	[dreg:$0x5] =	wrdreg $0x0  }
0xb3: {  	[dreg:$0x6] =	wrdreg $0x140000  }
0xb4: {  	[dreg:$0x7] =	wrdreg $0x9  }
0xb5: {  	_ =	task.clear_ibuf [dreg:s8], $0x8FFFF;
	_ =	strace $0x90000046  }
0xb6: {  	s29 =	simm.s32 $0x9;
	_ =	strace $0x80000048  }
0xb7: {  	_ =	swait.ge [sflag:s29], $0x1  }
0xb8: {  	[sflag:s29] =	ssyncadd.s32 $0xFFFFFFFF  }
0xb9: {  	_ =	strace $0x90000048  }
0xba: {  	_ =	sfence  }
0xbb: {  	s30 =	sld [smem:$0x0];
	_ =	sdelay $0x2  }
0xbc: {  	s31 =	sshll.u32 s1, $0xD;
	s1 =	sshrl.u32 s1, $0x2  }
0xbd: {  	s3 =	sand.u32 $0x4000, s31;
	s1 =	sadd.s32 s1, s30  }
0xbe: {  	s0 =	sor.u32 s3, s0;
	s1 =	sshll.u32 s1, $0x11  }
0xbf: {  	s0 =	sor.u32 s1, s0  }
0xc0: {  	s0 =	sadd.s32 $0x8F2B, s0  }
0xc1: {  	[sflag:s0] =	ssyncadd.remote.s32 $0x1  }
0xc2: {  	_ =	sfence.sel $0xFFFF  }
0xc3: {  	[dreg:$0x0] =	wrdreg $0xFFFFFFFF;
	(pc) =	sbr.abs _section_cstart, $3  }
0xc4: {  	[dreg:$0x1] =	wrdreg $0xFFFFFFFF  }
0xc5: {  	_ =	task.clear_ibuf [dreg:s8], $0x2FFFF;
	_ =	strace $0x9FFFFFFF  }
0xc6: {  	(tm) =	ssettm $0x7FFFFFFF  }
0xc7: {  	_ =	shalt  }
tec
execute0_lowered:
.L_overlay_start_1:
0x0: {  	(tag) =	ssettag $0x1  }
0x1: {  	s0 =	rddreg [dreg:$0x0]  }
0x2: {  	s2 =	rddreg [dreg:$0x1];
	s14 =	stileid.u32  }
0x3: {  	s1 =	srdreg.scid;
	s8 =	smul.u32 $0x4E20, s14  }
0x4: {  	s6 =	rddreg [dreg:$0x2];
	s10 =	smul.u32 $0x14000, s14  }
0x5: {  	s3 =	rddreg [dreg:$0x3];
	s25 =	smul.u32 $0x2800, s14  }
0x6: {  	s4 =	rddreg [dreg:$0x4];
	s7 =	sand.u32 $0x1, s1;
	s13 =	smul.u32 $0xA000, s14  }
0x7: {  	s5 =	simm.s32 $0x0;
	s28 =	simm.s32 $0x1C340;
	s1 =	smul.u32 $0x4E200, s7  }
0x8: {  	s29 =	simm.s32 $0x16800;
	s30 =	simm.s32 $0x16B20;
	s9 =	smul.u32 $0x140000, s7  }
0x9: {  	[smem:$0x7FF] =	sst s5;
	s23 =	smul.u32 $0x28000, s7;
	s7 =	ssub.s32 $0x2, s7  }
0xa: {  	s26 =	smul.u32 $0x50000, s14;
	_ =	strace $0x80000047;
	s12 =	sshrl.u32 s7, $0x1  }
0xb: {  	s13 =	sshrl.u32 s13, $0x2;
	s1 =	sadd.s32 s8, s1;
	s22 =	sadd.s32 s10, s9  }
0xc: {  	s8 =	sadd.s32 s25, s23;
	s7 =	ssub.s32 s7, s12;
	s12 =	sshrl.u32 s26, $0x2  }
0xd: {  	s10 =	sshrl.u32 s1, $0x3;
	s24 =	sshrl.u32 s22, $0x3;
	s8 =	sshrl.u32 s8, $0x3  }
0xe: {  	s7 =	smax.u32 s7, $0x1;
	s21 =	sadd.s32 s12, s3;
	s11 =	sadd.s32 s10, s2  }
0xf: {  	s1 =	sadd.s32 s24, s2;
	s2 =	sadd.s32 s8, s2;
	[dreg:$0xd] =	wrdreg s7  }
0x10: {  	s8 =	smul.u32 $0x280, s14;
	s14 =	sadd.s32 s13, s4;
	[dreg:$0xe] =	wrdreg s21  }
0x11: {  	s31 =	simm.s32 $0x50;
	s6 =	sadd.s32 s10, s6;
	[dreg:$0xf] =	wrdreg s14  }
0x12: {  	s12 =	simm.s32 $0x16D00;
	s10 =	simm.s32 $0x16C60;
	[dreg:$0x6] =	wrdreg s6  }
0x13: {  	s1 =	sadd.s32 $0x1F600, s1;
	s6 =	simm.s32 $0x16BC0;
	s15 =	sor.u32 $0x50, s8  }
0x14: {  	s17 =	sadd.s32 $0xA0, s8;
	s20 =	sadd.s32 $0xF0, s8;
	s24 =	sadd.s32 $0x140, s8  }
0x15: {  	s26 =	sadd.s32 $0x190, s8;
	[dreg:$0x1e] =	wrdreg s1;
	s1 =	simm.s32 $0x16B70  }
0x16: {  	s16 =	sshll.u32 s15, $0x7;
	s7 =	sshll.u32 s15, $0x4;
	s18 =	sshll.u32 s17, $0x7  }
0x17: {  	s19 =	sshll.u32 s17, $0x4;
	s22 =	sshll.u32 s20, $0x7;
	s25 =	sshll.u32 s24, $0x7  }
0x18: {  	s13 =	sshll.u32 s26, $0x7;
	s14 =	sshll.u32 s26, $0x4;
	s26 =	simm.s32 $0x16990  }
0x19: {  	s15 =	sadd.s32 $0x1E0, s8;
	s9 =	sadd.s32 s16, s3;
	[dreg:$0xc] =	wrdreg s26  }
0x1a: {  	s7 =	sadd.s32 s7, s4;
	s16 =	sshll.u32 s15, $0x7;
	[dreg:$0x10] =	wrdreg s9  }
0x1b: {  	s26 =	simm.s32 $0x4;
	[dreg:$0x11] =	wrdreg s7;
	s7 =	sadd.s32 s18, s3  }
0x1c: {  	s9 =	sshll.u32 s20, $0x4;
	s17 =	sadd.s32 s16, s3;
	[dreg:$0x12] =	wrdreg s7  }
0x1d: {  	s20 =	sadd.s32 $0x1C00, s11;
	s11 =	simm.s32 $0x16CB0;
	[dreg:$0x1a] =	wrdreg s17  }
0x1e: {  	s16 =	simm.s32 $0x19640;
	s7 =	sadd.s32 s19, s4;
	[dreg:$0x7] =	wrdreg s20  }
0x1f: {  	s23 =	sadd.s32 s9, s4;
	s9 =	sadd.s32 s25, s3;
	[dreg:$0x13] =	wrdreg s7  }
0x20: {  	s19 =	sadd.s32 $0x230, s8;
	s25 =	simm.s32 $0x16940;
	[dreg:$0x15] =	wrdreg s23  }
0x21: {  	s17 =	simm.s32 $0x1;
	s20 =	simm.s32 $0x169E0;
	[dreg:$0x16] =	wrdreg s9  }
0x22: {  	s7 =	sadd.s32 s22, s3;
	s9 =	sshll.u32 s15, $0x4;
	[dreg:$0xb] =	wrdreg s25  }
0x23: {  	s8 =	sshll.u32 s19, $0x7;
	s22 =	simm.s32 $0x16850;
	[dreg:$0x14] =	wrdreg s7  }
0x24: {  	s23 =	simm.s32 $0x168A0;
	s25 =	simm.s32 $0x16E40;
	[dreg:$0x8] =	wrdreg s22  }
0x25: {  	s15 =	simm.s32 $0x16DF0;
	s18 =	sadd.s32 s9, s4;
	[dreg:$0x9] =	wrdreg s23  }
0x26: {  	s7 =	sshll.u32 s24, $0x4;
	s8 =	sadd.s32 s8, s3;
	[dreg:$0x1b] =	wrdreg s18  }
0x27: {  	s24 =	simm.s32 $0x168F0;
	s23 =	sadd.s32 $0x15600, s2;
	[dreg:$0x1c] =	wrdreg s8  }
0x28: {  	s2 =	simm.s32 $0x1BE40;
	s7 =	sadd.s32 s7, s4;
	[dreg:$0xa] =	wrdreg s24  }
0x29: {  	s9 =	simm.s32 $0x16C10;
	[dreg:$0x17] =	wrdreg s7;
	s7 =	sadd.s32 s13, s3  }
0x2a: {  	s22 =	simm.s32 $0x16A80;
	[dreg:$0x18] =	wrdreg s7;
	s7 =	sadd.s32 s14, s4  }
0x2b: {  	s18 =	simm.s32 $0x2;
	[dreg:$0x19] =	wrdreg s7;
	s7 =	sshll.u32 s19, $0x4  }
0x2c: {  	s24 =	simm.s32 $0x3;
	s8 =	simm.s32 $0x0;
	s7 =	sadd.s32 s7, s4  }
0x2d: {  	v0 =	vimm.f32 $1.000000000e+00;
	v1 =	vimm.f32 $0.0e+00;
	s13 =	simm.s32 $0x16D50;
	s14 =	simm.s32 $0x16DA0;
	[dreg:$0x1d] =	wrdreg s7  }
.LBB2_1:
0x2e: {  	s19 =	simm.s32 $0x0  }
0x2f: {  	[dreg:$0x1f] =	wrdreg s8;
	s7 =	simm.s32 $0x16E80;
	s8 =	simm.s32 $0x40;
	[tilespmem:s19+$0x1BE40] =	vst v0  }
.LBB2_2:
0x30: {  	p0 =	sne.s32 s8, $0x13C0;
	[tilespmem:s7+$0xFFFFFFC0] =	vst v1  }
0x31: {  	[tilespmem:s7+$0xFFFFFFD0] =	vst v1  }
0x32: {  	[tilespmem:s7+$0xFFFFFFE0] =	vst v1  }
0x33: {  	[tilespmem:s7+$0xFFFFFFF0] =	vst v1  }
.Ltmp0:
0x34: {  	[tilespmem:s7+$0x0] =	vst v1;
	(pc) =	sbr.rel @p0 .LBB2_2-.Ltmp0, $4  }
0x35: {  	[tilespmem:s7+$0x10] =	vst v1  }
0x36: {  	[tilespmem:s7+$0x20] =	vst v1  }
0x37: {  	s19 =	sshra.s32 s8, $0x2;
	[tilespmem:s7+$0x30] =	vst v1  }
0x38: {  	s8 =	sadd.s32 $0x40, s8;
	s7 =	sadd.s32 $0x80, s7;
	[tilespmem:s19+$0x1BE40] =	vst v0  }
0x39: {  	[tilespmem:s7+$0xFFFFFFC0] =	vst v1  }
0x3a: {  	[tilespmem:s7+$0xFFFFFFD0] =	vst v1  }
0x3b: {  	[tilespmem:s7+$0xFFFFFFE0] =	vst v1  }
0x3c: {  	[tilespmem:s7+$0xFFFFFFF0] =	vst v1  }
0x3d: {  	[tilespmem:s7+$0x0] =	vst v1  }
0x3e: {  	[tilespmem:s7+$0x10] =	vst v1  }
0x3f: {  	[tilespmem:s7+$0x20] =	vst v1  }
0x40: {  	[tilespmem:s7+$0x30] =	vst v1;
	s7 =	simm.s32 $0x40;
	s8 =	simm.s32 $0x0  }
.LBB2_4:
0x41: {  	p0 =	sne.s32 s7, $0x13C0;
	[tilespmem:s8+$0x1C340] =	vst v1;
	s8 =	smov.u32 s7;
	s7 =	sadd.s32 $0x40, s7  }
.Ltmp1:
0x42: {  	(pc) =	sbr.rel @p0 .LBB2_4-.Ltmp1, $2  }
0x43: {  	_ =	sdelay $0x2  }
0x44: {  	s8 =	sshra.s32 s8, $0x2  }
0x45: {  	[tilespmem:s8+$0x1C340] =	vst v1  }
0x46: {  	[spmem:s21] =	stream.linear.scatter [tilespmem:s25], [sflag:$0x4], $0x2800, $0x38;
	[tilespmem:$0x1C840] =	vst v63  }
0x47: {  	_ =	swait.ge [sflag:s26], $0x2800  }
0x48: {  	[sflag:s26] =	ssyncset.done $0x0  }
0x49: {  	s7 =	rddreg [dreg:$0xf];
	[sflag:s26] =	ssyncadd.s32 $0xFFFFD800  }
0x4a: {  	[spmem:s7] =	stream.linear.scatter [tilespmem:s28], [sflag:$0x4], $0x500, $0x38;
	[tilespmem:$0x1C840] =	vst v63  }
0x4b: {  	_ =	swait.ge [sflag:s26], $0x500  }
0x4c: {  	[sflag:s26] =	ssyncset.done $0x0  }
0x4d: {  	s21 =	rddreg [dreg:$0x10];
	[sflag:s26] =	ssyncadd.s32 $0xFFFFFB00  }
0x4e: {  	[spmem:s21] =	stream.linear.scatter [tilespmem:s25], [sflag:$0x4], $0x2800, $0x38;
	[tilespmem:$0x1C840] =	vst v63  }
0x4f: {  	_ =	swait.ge [sflag:s26], $0x2800  }
0x50: {  	[sflag:s26] =	ssyncset.done $0x0  }
0x51: {  	s8 =	rddreg [dreg:$0x11];
	[sflag:s26] =	ssyncadd.s32 $0xFFFFD800  }
0x52: {  	[spmem:s8] =	stream.linear.scatter [tilespmem:s28], [sflag:$0x4], $0x500, $0x38;
	[tilespmem:$0x1C840] =	vst v63  }
0x53: {  	_ =	swait.ge [sflag:s26], $0x500  }
0x54: {  	[sflag:s26] =	ssyncset.done $0x0  }
0x55: {  	s19 =	rddreg [dreg:$0x12];
	[sflag:s26] =	ssyncadd.s32 $0xFFFFFB00  }
0x56: {  	[spmem:s19] =	stream.linear.scatter [tilespmem:s25], [sflag:$0x4], $0x2800, $0x38;
	[tilespmem:$0x1C840] =	vst v63  }
0x57: {  	_ =	swait.ge [sflag:s26], $0x2800  }
0x58: {  	[sflag:s26] =	ssyncset.done $0x0  }
0x59: {  	s21 =	rddreg [dreg:$0x13];
	[sflag:s26] =	ssyncadd.s32 $0xFFFFD800  }
0x5a: {  	[spmem:s21] =	stream.linear.scatter [tilespmem:s28], [sflag:$0x4], $0x500, $0x38;
	[tilespmem:$0x1C840] =	vst v63  }
0x5b: {  	_ =	swait.ge [sflag:s26], $0x500  }
0x5c: {  	[sflag:s26] =	ssyncset.done $0x0  }
0x5d: {  	s8 =	rddreg [dreg:$0x14];
	[sflag:s26] =	ssyncadd.s32 $0xFFFFFB00  }
0x5e: {  	[spmem:s8] =	stream.linear.scatter [tilespmem:s25], [sflag:$0x4], $0x2800, $0x38;
	[tilespmem:$0x1C840] =	vst v63  }
0x5f: {  	_ =	swait.ge [sflag:s26], $0x2800  }
0x60: {  	[sflag:s26] =	ssyncset.done $0x0  }
0x61: {  	s19 =	rddreg [dreg:$0x15];
	[sflag:s26] =	ssyncadd.s32 $0xFFFFD800  }
0x62: {  	[spmem:s19] =	stream.linear.scatter [tilespmem:s28], [sflag:$0x4], $0x500, $0x38;
	[tilespmem:$0x1C840] =	vst v63  }
0x63: {  	_ =	swait.ge [sflag:s26], $0x500  }
0x64: {  	[sflag:s26] =	ssyncset.done $0x0  }
0x65: {  	s21 =	rddreg [dreg:$0x16];
	[sflag:s26] =	ssyncadd.s32 $0xFFFFFB00  }
0x66: {  	[spmem:s21] =	stream.linear.scatter [tilespmem:s25], [sflag:$0x4], $0x2800, $0x38;
	[tilespmem:$0x1C840] =	vst v63  }
0x67: {  	_ =	swait.ge [sflag:s26], $0x2800  }
0x68: {  	[sflag:s26] =	ssyncset.done $0x0  }
0x69: {  	s8 =	rddreg [dreg:$0x17];
	[sflag:s26] =	ssyncadd.s32 $0xFFFFD800  }
0x6a: {  	[spmem:s8] =	stream.linear.scatter [tilespmem:s28], [sflag:$0x4], $0x500, $0x38;
	[tilespmem:$0x1C840] =	vst v63  }
0x6b: {  	_ =	swait.ge [sflag:s26], $0x500  }
0x6c: {  	[sflag:s26] =	ssyncset.done $0x0  }
0x6d: {  	s19 =	rddreg [dreg:$0x18];
	[sflag:s26] =	ssyncadd.s32 $0xFFFFFB00  }
0x6e: {  	[spmem:s19] =	stream.linear.scatter [tilespmem:s25], [sflag:$0x4], $0x2800, $0x38;
	[tilespmem:$0x1C840] =	vst v63  }
0x6f: {  	_ =	swait.ge [sflag:s26], $0x2800  }
0x70: {  	[sflag:s26] =	ssyncset.done $0x0  }
0x71: {  	s21 =	rddreg [dreg:$0x19];
	[sflag:s26] =	ssyncadd.s32 $0xFFFFD800  }
0x72: {  	[spmem:s21] =	stream.linear.scatter [tilespmem:s28], [sflag:$0x4], $0x500, $0x38;
	[tilespmem:$0x1C840] =	vst v63  }
0x73: {  	_ =	swait.ge [sflag:s26], $0x500  }
0x74: {  	[sflag:s26] =	ssyncset.done $0x0  }
0x75: {  	s8 =	rddreg [dreg:$0x1a];
	[sflag:s26] =	ssyncadd.s32 $0xFFFFFB00  }
0x76: {  	[spmem:s8] =	stream.linear.scatter [tilespmem:s25], [sflag:$0x4], $0x2800, $0x38;
	[tilespmem:$0x1C840] =	vst v63  }
0x77: {  	_ =	swait.ge [sflag:s26], $0x2800  }
0x78: {  	[sflag:s26] =	ssyncset.done $0x0  }
0x79: {  	s19 =	rddreg [dreg:$0x1b];
	[sflag:s26] =	ssyncadd.s32 $0xFFFFD800  }
0x7a: {  	[spmem:s19] =	stream.linear.scatter [tilespmem:s28], [sflag:$0x4], $0x500, $0x38;
	[tilespmem:$0x1C840] =	vst v63  }
0x7b: {  	_ =	swait.ge [sflag:s26], $0x500  }
0x7c: {  	[sflag:s26] =	ssyncset.done $0x0  }
0x7d: {  	s21 =	rddreg [dreg:$0x1c];
	[sflag:s26] =	ssyncadd.s32 $0xFFFFFB00  }
0x7e: {  	[spmem:s21] =	stream.linear.scatter [tilespmem:s25], [sflag:$0x4], $0x2800, $0x38;
	[tilespmem:$0x1C840] =	vst v63  }
0x7f: {  	_ =	swait.ge [sflag:s26], $0x2800  }
0x80: {  	[sflag:s26] =	ssyncset.done $0x0  }
0x81: {  	s8 =	rddreg [dreg:$0x1d];
	[sflag:s26] =	ssyncadd.s32 $0xFFFFD800  }
0x82: {  	[spmem:s8] =	stream.linear.scatter [tilespmem:s28], [sflag:$0x4], $0x500, $0x38;
	[tilespmem:$0x1C840] =	vst v63  }
0x83: {  	_ =	swait.ge [sflag:s26], $0x500  }
0x84: {  	[sflag:s26] =	ssyncset.done $0x0  }
0x85: {  	[sflag:s26] =	ssyncadd.s32 $0xFFFFFB00  }
0x86: {  	[bflag:$0x0] =	sbarrier.arrive $0xFFFF  }
0x87: {  	s19 =	rddreg [dreg:$0x7]  }
0x88: {  	s7 =	sadd.s32 $0x0, s19  }
0x89: {  	[tilespmem:s29], [sflag:$0x4] =	stream.linear.gather [hbm4b:s7+s5], $0x320, $0x38;
	[tilespmem:$0x1C840] =	vst v63  }
0x8a: {  	_ =	swait.ge [sflag:s26], $0x320  }
0x8b: {  	s21 =	rddreg [dreg:$0x6];
	[sflag:s26] =	ssyncset.done $0x0  }
0x8c: {  	[sflag:s26] =	ssyncadd.s32 $0xFFFFFCE0;
	s7 =	sadd.s32 $0x0, s21  }
0x8d: {  	[tilespmem:s30], [sflag:$0x4] =	stream.linear.gather [hbm4b:s7+s5], $0x320, $0x38;
	[tilespmem:$0x1C840] =	vst v63  }
0x8e: {  	_ =	swait.ge [sflag:s26], $0x320  }
0x8f: {  	[sflag:s26] =	ssyncset.done $0x0  }
0x90: {  	[sflag:s26] =	ssyncadd.s32 $0xFFFFFCE0  }
0x91: {  	[spmem:s4] =	stream.indirect.scatter.add.f32 [tilespmem:s2], [sflag:$0x3], $0x10, s30, s31, $0xb8;
	[tilespmem:$0x1C840] =	vst v63  }
0x92: {  	_ = 	snop  }
0x93: {  	[spmem:s4] =	stream.indirect.scatter.add.f32 [tilespmem:s2], [sflag:$0x3], $0x10, s1, s31, $0xb8;
	[tilespmem:$0x1C840] =	vst v63  }
0x94: {  	_ = 	snop  }
0x95: {  	[spmem:s4] =	stream.indirect.scatter.add.f32 [tilespmem:s2], [sflag:$0x3], $0x10, s6, s31, $0xb8;
	[tilespmem:$0x1C840] =	vst v63  }
0x96: {  	_ = 	snop  }
0x97: {  	[spmem:s4] =	stream.indirect.scatter.add.f32 [tilespmem:s2], [sflag:$0x3], $0x10, s9, s31, $0xb8;
	[tilespmem:$0x1C840] =	vst v63  }
0x98: {  	_ = 	snop  }
0x99: {  	[spmem:s4] =	stream.indirect.scatter.add.f32 [tilespmem:s2], [sflag:$0x3], $0x10, s10, s31, $0xb8;
	[tilespmem:$0x1C840] =	vst v63  }
0x9a: {  	_ = 	snop  }
0x9b: {  	[spmem:s4] =	stream.indirect.scatter.add.f32 [tilespmem:s2], [sflag:$0x3], $0x10, s11, s31, $0xb8;
	[tilespmem:$0x1C840] =	vst v63  }
0x9c: {  	_ = 	snop  }
0x9d: {  	[spmem:s4] =	stream.indirect.scatter.add.f32 [tilespmem:s2], [sflag:$0x3], $0x10, s12, s31, $0xb8;
	[tilespmem:$0x1C840] =	vst v63  }
0x9e: {  	_ = 	snop  }
0x9f: {  	[spmem:s4] =	stream.indirect.scatter.add.f32 [tilespmem:s2], [sflag:$0x3], $0x10, s13, s31, $0xb8;
	[tilespmem:$0x1C840] =	vst v63  }
0xa0: {  	_ = 	snop  }
0xa1: {  	[spmem:s4] =	stream.indirect.scatter.add.f32 [tilespmem:s2], [sflag:$0x3], $0x10, s14, s31, $0xb8;
	[tilespmem:$0x1C840] =	vst v63  }
0xa2: {  	_ = 	snop  }
0xa3: {  	[spmem:s4] =	stream.indirect.scatter.add.f32 [tilespmem:s2], [sflag:$0x3], $0x10, s15, s31, $0xb8;
	[tilespmem:$0x1C840] =	vst v63  }
0xa4: {  	_ = 	snop  }
0xa5: {  	[tilespmem:s25], [sflag:$0x1] =	stream.indirect.gather [hbm4b:s0+s31], $0x80, s29, s31, $0xb8;
	[tilespmem:$0x1C840] =	vst v63  }
0xa6: {  	s8 =	rddreg [dreg:$0x8]  }
0xa7: {  	[tilespmem:s16], [sflag:$0x2] =	stream.indirect.gather [hbm4b:s0+s31], $0x80, s8, s31, $0xb8;
	[tilespmem:$0x1C840] =	vst v63  }
0xa8: {  	_ =	swait.ge [sflag:s17], $0x2800  }
0xa9: {  	[sflag:s17] =	ssyncset.done $0x0  }
0xaa: {  	[sflag:s17] =	ssyncadd.s32 $0xFFFFD800  }
0xab: {  	[spmem:s3] =	stream.indirect.scatter.add.f32 [tilespmem:s25], [sflag:$0x4], $0x80, s30, s31, $0xb8;
	[tilespmem:$0x1C840] =	vst v63  }
0xac: {  	_ =	swait.ge [sflag:s26], $0x2800  }
0xad: {  	[sflag:s26] =	ssyncset.done $0x0  }
0xae: {  	s19 =	rddreg [dreg:$0x9];
	[sflag:s26] =	ssyncadd.s32 $0xFFFFD800  }
0xaf: {  	[tilespmem:s25], [sflag:$0x1] =	stream.indirect.gather [hbm4b:s0+s31], $0x80, s19, s31, $0xb8;
	[tilespmem:$0x1C840] =	vst v63  }
0xb0: {  	_ =	swait.ge [sflag:s18], $0x2800  }
0xb1: {  	[sflag:s18] =	ssyncset.done $0x0  }
0xb2: {  	[sflag:s18] =	ssyncadd.s32 $0xFFFFD800  }
0xb3: {  	[spmem:s3] =	stream.indirect.scatter.add.f32 [tilespmem:s16], [sflag:$0x4], $0x80, s1, s31, $0xb8;
	[tilespmem:$0x1C840] =	vst v63  }
0xb4: {  	_ =	swait.ge [sflag:s26], $0x2800  }
0xb5: {  	[sflag:s26] =	ssyncset.done $0x0  }
0xb6: {  	s21 =	rddreg [dreg:$0xa];
	[sflag:s26] =	ssyncadd.s32 $0xFFFFD800  }
0xb7: {  	[tilespmem:s16], [sflag:$0x2] =	stream.indirect.gather [hbm4b:s0+s31], $0x80, s21, s31, $0xb8;
	[tilespmem:$0x1C840] =	vst v63  }
0xb8: {  	_ =	swait.ge [sflag:s17], $0x2800  }
0xb9: {  	[sflag:s17] =	ssyncset.done $0x0  }
0xba: {  	[sflag:s17] =	ssyncadd.s32 $0xFFFFD800  }
0xbb: {  	[spmem:s3] =	stream.indirect.scatter.add.f32 [tilespmem:s25], [sflag:$0x4], $0x80, s6, s31, $0xb8;
	[tilespmem:$0x1C840] =	vst v63  }
0xbc: {  	_ =	swait.ge [sflag:s26], $0x2800  }
0xbd: {  	[sflag:s26] =	ssyncset.done $0x0  }
0xbe: {  	s8 =	rddreg [dreg:$0xb];
	[sflag:s26] =	ssyncadd.s32 $0xFFFFD800  }
0xbf: {  	[tilespmem:s25], [sflag:$0x1] =	stream.indirect.gather [hbm4b:s0+s31], $0x80, s8, s31, $0xb8;
	[tilespmem:$0x1C840] =	vst v63  }
0xc0: {  	_ =	swait.ge [sflag:s18], $0x2800  }
0xc1: {  	[sflag:s18] =	ssyncset.done $0x0  }
0xc2: {  	[sflag:s18] =	ssyncadd.s32 $0xFFFFD800  }
0xc3: {  	[spmem:s3] =	stream.indirect.scatter.add.f32 [tilespmem:s16], [sflag:$0x4], $0x80, s9, s31, $0xb8;
	[tilespmem:$0x1C840] =	vst v63  }
0xc4: {  	_ =	swait.ge [sflag:s26], $0x2800  }
0xc5: {  	[sflag:s26] =	ssyncset.done $0x0  }
0xc6: {  	s19 =	rddreg [dreg:$0xc];
	[sflag:s26] =	ssyncadd.s32 $0xFFFFD800  }
0xc7: {  	[tilespmem:s16], [sflag:$0x2] =	stream.indirect.gather [hbm4b:s0+s31], $0x80, s19, s31, $0xb8;
	[tilespmem:$0x1C840] =	vst v63  }
0xc8: {  	_ =	swait.ge [sflag:s17], $0x2800  }
0xc9: {  	[sflag:s17] =	ssyncset.done $0x0  }
0xca: {  	[sflag:s17] =	ssyncadd.s32 $0xFFFFD800  }
0xcb: {  	[spmem:s3] =	stream.indirect.scatter.add.f32 [tilespmem:s25], [sflag:$0x4], $0x80, s10, s31, $0xb8;
	[tilespmem:$0x1C840] =	vst v63  }
0xcc: {  	_ =	swait.ge [sflag:s26], $0x2800  }
0xcd: {  	[sflag:s26] =	ssyncset.done $0x0  }
0xce: {  	[sflag:s26] =	ssyncadd.s32 $0xFFFFD800  }
0xcf: {  	[tilespmem:s25], [sflag:$0x1] =	stream.indirect.gather [hbm4b:s0+s31], $0x80, s20, s31, $0xb8;
	[tilespmem:$0x1C840] =	vst v63  }
0xd0: {  	_ =	swait.ge [sflag:s18], $0x2800  }
0xd1: {  	[sflag:s18] =	ssyncset.done $0x0  }
0xd2: {  	[sflag:s18] =	ssyncadd.s32 $0xFFFFD800  }
0xd3: {  	[spmem:s3] =	stream.indirect.scatter.add.f32 [tilespmem:s16], [sflag:$0x4], $0x80, s11, s31, $0xb8;
	[tilespmem:$0x1C840] =	vst v63  }
0xd4: {  	_ =	swait.ge [sflag:s26], $0x2800  }
0xd5: {  	[sflag:s26] =	ssyncset.done $0x0  }
0xd6: {  	s21 =	simm.s32 $0x16A30;
	[sflag:s26] =	ssyncadd.s32 $0xFFFFD800  }
0xd7: {  	[tilespmem:s16], [sflag:$0x2] =	stream.indirect.gather [hbm4b:s0+s31], $0x80, s21, s31, $0xb8;
	[tilespmem:$0x1C840] =	vst v63  }
0xd8: {  	_ =	swait.ge [sflag:s17], $0x2800  }
0xd9: {  	[sflag:s17] =	ssyncset.done $0x0  }
0xda: {  	[sflag:s17] =	ssyncadd.s32 $0xFFFFD800  }
0xdb: {  	[spmem:s3] =	stream.indirect.scatter.add.f32 [tilespmem:s25], [sflag:$0x4], $0x80, s12, s31, $0xb8;
	[tilespmem:$0x1C840] =	vst v63  }
0xdc: {  	_ =	swait.ge [sflag:s26], $0x2800  }
0xdd: {  	[sflag:s26] =	ssyncset.done $0x0  }
0xde: {  	[sflag:s26] =	ssyncadd.s32 $0xFFFFD800  }
0xdf: {  	[tilespmem:s25], [sflag:$0x1] =	stream.indirect.gather [hbm4b:s0+s31], $0x80, s22, s31, $0xb8;
	[tilespmem:$0x1C840] =	vst v63  }
0xe0: {  	_ =	swait.ge [sflag:s18], $0x2800  }
0xe1: {  	[sflag:s18] =	ssyncset.done $0x0  }
0xe2: {  	[sflag:s18] =	ssyncadd.s32 $0xFFFFD800  }
0xe3: {  	[spmem:s3] =	stream.indirect.scatter.add.f32 [tilespmem:s16], [sflag:$0x4], $0x80, s13, s31, $0xb8;
	[tilespmem:$0x1C840] =	vst v63  }
0xe4: {  	_ =	swait.ge [sflag:s26], $0x2800  }
0xe5: {  	[sflag:s26] =	ssyncset.done $0x0  }
0xe6: {  	s20 =	simm.s32 $0x16AD0;
	[sflag:s26] =	ssyncadd.s32 $0xFFFFD800  }
0xe7: {  	[tilespmem:s16], [sflag:$0x2] =	stream.indirect.gather [hbm4b:s0+s31], $0x80, s20, s31, $0xb8;
	[tilespmem:$0x1C840] =	vst v63  }
0xe8: {  	_ =	swait.ge [sflag:s17], $0x2800  }
0xe9: {  	[sflag:s17] =	ssyncset.done $0x0  }
0xea: {  	[sflag:s17] =	ssyncadd.s32 $0xFFFFD800  }
0xeb: {  	[spmem:s3] =	stream.indirect.scatter.add.f32 [tilespmem:s25], [sflag:$0x4], $0x80, s14, s31, $0xb8;
	[tilespmem:$0x1C840] =	vst v63  }
0xec: {  	_ =	swait.ge [sflag:s26], $0x2800  }
0xed: {  	[sflag:s26] =	ssyncset.done $0x0  }
0xee: {  	[sflag:s26] =	ssyncadd.s32 $0xFFFFD800  }
0xef: {  	_ =	swait.ge [sflag:s18], $0x2800  }
0xf0: {  	[sflag:s18] =	ssyncset.done $0x0  }
0xf1: {  	[sflag:s18] =	ssyncadd.s32 $0xFFFFD800  }
0xf2: {  	[spmem:s3] =	stream.indirect.scatter.add.f32 [tilespmem:s16], [sflag:$0x4], $0x80, s15, s31, $0xb8;
	[tilespmem:$0x1C840] =	vst v63  }
0xf3: {  	_ =	swait.ge [sflag:s26], $0x2800  }
0xf4: {  	[sflag:s26] =	ssyncset.done $0x0  }
0xf5: {  	[sflag:s26] =	ssyncadd.s32 $0xFFFFD800  }
0xf6: {  	_ =	swait.ge [sflag:s24], $0x500  }
0xf7: {  	[sflag:s24] =	ssyncset.done $0x0  }
0xf8: {  	[sflag:s24] =	ssyncadd.s32 $0xFFFFFB00  }
0xf9: {  	_ =	swait.ge [sflag:s24], $0x500  }
0xfa: {  	[sflag:s24] =	ssyncset.done $0x0  }
0xfb: {  	[sflag:s24] =	ssyncadd.s32 $0xFFFFFB00  }
0xfc: {  	_ =	swait.ge [sflag:s24], $0x500  }
0xfd: {  	[sflag:s24] =	ssyncset.done $0x0  }
0xfe: {  	[sflag:s24] =	ssyncadd.s32 $0xFFFFFB00  }
0xff: {  	_ =	swait.ge [sflag:s24], $0x500  }
0x100: {  	[sflag:s24] =	ssyncset.done $0x0  }
0x101: {  	[sflag:s24] =	ssyncadd.s32 $0xFFFFFB00  }
0x102: {  	_ =	swait.ge [sflag:s24], $0x500  }
0x103: {  	[sflag:s24] =	ssyncset.done $0x0  }
0x104: {  	[sflag:s24] =	ssyncadd.s32 $0xFFFFFB00  }
0x105: {  	_ =	swait.ge [sflag:s24], $0x500  }
0x106: {  	[sflag:s24] =	ssyncset.done $0x0  }
0x107: {  	[sflag:s24] =	ssyncadd.s32 $0xFFFFFB00  }
0x108: {  	_ =	swait.ge [sflag:s24], $0x500  }
0x109: {  	[sflag:s24] =	ssyncset.done $0x0  }
0x10a: {  	[sflag:s24] =	ssyncadd.s32 $0xFFFFFB00  }
0x10b: {  	_ =	swait.ge [sflag:s24], $0x500  }
0x10c: {  	[sflag:s24] =	ssyncset.done $0x0  }
0x10d: {  	[sflag:s24] =	ssyncadd.s32 $0xFFFFFB00  }
0x10e: {  	_ =	swait.ge [sflag:s24], $0x500  }
0x10f: {  	[sflag:s24] =	ssyncset.done $0x0  }
0x110: {  	[sflag:s24] =	ssyncadd.s32 $0xFFFFFB00  }
0x111: {  	s7 =	simm.s32 $0xC8;
	_ =	swait.ge [sflag:s24], $0x500  }
0x112: {  	s8 =	simm.s32 $0x64;
	s19 =	rddreg [dreg:$0x7];
	[sflag:s24] =	ssyncset.done $0x0  }
.LBB2_6:
0x113: {  	[sflag:s24] =	ssyncadd.s32 $0xFFFFFB00;
	s19 =	sadd.s32 s8, s19  }
0x114: {  	[tilespmem:s29], [sflag:$0x4] =	stream.linear.gather [hbm4b:s19+s5], $0x320, $0x38;
	[tilespmem:$0x1C840] =	vst v63  }
0x115: {  	_ =	swait.ge [sflag:s26], $0x320  }
0x116: {  	s19 =	rddreg [dreg:$0x6];
	[sflag:s26] =	ssyncset.done $0x0  }
0x117: {  	[sflag:s26] =	ssyncadd.s32 $0xFFFFFCE0;
	s19 =	sadd.s32 s8, s19  }
0x118: {  	[tilespmem:s30], [sflag:$0x4] =	stream.linear.gather [hbm4b:s19+s5], $0x320, $0x38;
	[tilespmem:$0x1C840] =	vst v63  }
0x119: {  	_ =	swait.ge [sflag:s26], $0x320  }
0x11a: {  	[sflag:s26] =	ssyncset.done $0x0  }
0x11b: {  	[sflag:s26] =	ssyncadd.s32 $0xFFFFFCE0  }
0x11c: {  	[spmem:s4] =	stream.indirect.scatter.add.f32 [tilespmem:s2], [sflag:$0x3], $0x10, s30, s31, $0xb8;
	[tilespmem:$0x1C840] =	vst v63  }
0x11d: {  	_ = 	snop  }
0x11e: {  	[spmem:s4] =	stream.indirect.scatter.add.f32 [tilespmem:s2], [sflag:$0x3], $0x10, s1, s31, $0xb8;
	[tilespmem:$0x1C840] =	vst v63  }
0x11f: {  	_ = 	snop  }
0x120: {  	[spmem:s4] =	stream.indirect.scatter.add.f32 [tilespmem:s2], [sflag:$0x3], $0x10, s6, s31, $0xb8;
	[tilespmem:$0x1C840] =	vst v63  }
0x121: {  	_ = 	snop  }
0x122: {  	[spmem:s4] =	stream.indirect.scatter.add.f32 [tilespmem:s2], [sflag:$0x3], $0x10, s9, s31, $0xb8;
	[tilespmem:$0x1C840] =	vst v63  }
0x123: {  	_ = 	snop  }
0x124: {  	[spmem:s4] =	stream.indirect.scatter.add.f32 [tilespmem:s2], [sflag:$0x3], $0x10, s10, s31, $0xb8;
	[tilespmem:$0x1C840] =	vst v63  }
0x125: {  	_ = 	snop  }
0x126: {  	[spmem:s4] =	stream.indirect.scatter.add.f32 [tilespmem:s2], [sflag:$0x3], $0x10, s11, s31, $0xb8;
	[tilespmem:$0x1C840] =	vst v63  }
0x127: {  	_ = 	snop  }
0x128: {  	[spmem:s4] =	stream.indirect.scatter.add.f32 [tilespmem:s2], [sflag:$0x3], $0x10, s12, s31, $0xb8;
	[tilespmem:$0x1C840] =	vst v63  }
0x129: {  	_ = 	snop  }
0x12a: {  	[spmem:s4] =	stream.indirect.scatter.add.f32 [tilespmem:s2], [sflag:$0x3], $0x10, s13, s31, $0xb8;
	[tilespmem:$0x1C840] =	vst v63  }
0x12b: {  	_ = 	snop  }
0x12c: {  	[spmem:s4] =	stream.indirect.scatter.add.f32 [tilespmem:s2], [sflag:$0x3], $0x10, s14, s31, $0xb8;
	[tilespmem:$0x1C840] =	vst v63  }
0x12d: {  	_ = 	snop  }
0x12e: {  	[spmem:s4] =	stream.indirect.scatter.add.f32 [tilespmem:s2], [sflag:$0x3], $0x10, s15, s31, $0xb8;
	[tilespmem:$0x1C840] =	vst v63  }
0x12f: {  	_ = 	snop  }
0x130: {  	[tilespmem:s25], [sflag:$0x1] =	stream.indirect.gather [hbm4b:s0+s31], $0x80, s29, s31, $0xb8;
	[tilespmem:$0x1C840] =	vst v63  }
0x131: {  	s19 =	rddreg [dreg:$0x8]  }
0x132: {  	[tilespmem:s16], [sflag:$0x2] =	stream.indirect.gather [hbm4b:s0+s31], $0x80, s19, s31, $0xb8;
	[tilespmem:$0x1C840] =	vst v63  }
0x133: {  	_ =	swait.ge [sflag:s17], $0x2800  }
0x134: {  	[sflag:s17] =	ssyncset.done $0x0  }
0x135: {  	[sflag:s17] =	ssyncadd.s32 $0xFFFFD800  }
0x136: {  	[spmem:s3] =	stream.indirect.scatter.add.f32 [tilespmem:s25], [sflag:$0x4], $0x80, s30, s31, $0xb8;
	[tilespmem:$0x1C840] =	vst v63  }
0x137: {  	_ =	swait.ge [sflag:s26], $0x2800  }
0x138: {  	[sflag:s26] =	ssyncset.done $0x0  }
0x139: {  	s19 =	rddreg [dreg:$0x9];
	[sflag:s26] =	ssyncadd.s32 $0xFFFFD800  }
0x13a: {  	[tilespmem:s25], [sflag:$0x1] =	stream.indirect.gather [hbm4b:s0+s31], $0x80, s19, s31, $0xb8;
	[tilespmem:$0x1C840] =	vst v63  }
0x13b: {  	_ =	swait.ge [sflag:s18], $0x2800  }
0x13c: {  	[sflag:s18] =	ssyncset.done $0x0  }
0x13d: {  	[sflag:s18] =	ssyncadd.s32 $0xFFFFD800  }
0x13e: {  	[spmem:s3] =	stream.indirect.scatter.add.f32 [tilespmem:s16], [sflag:$0x4], $0x80, s1, s31, $0xb8;
	[tilespmem:$0x1C840] =	vst v63  }
0x13f: {  	_ =	swait.ge [sflag:s26], $0x2800  }
0x140: {  	[sflag:s26] =	ssyncset.done $0x0  }
0x141: {  	s19 =	rddreg [dreg:$0xa];
	[sflag:s26] =	ssyncadd.s32 $0xFFFFD800  }
0x142: {  	[tilespmem:s16], [sflag:$0x2] =	stream.indirect.gather [hbm4b:s0+s31], $0x80, s19, s31, $0xb8;
	[tilespmem:$0x1C840] =	vst v63  }
0x143: {  	_ =	swait.ge [sflag:s17], $0x2800  }
0x144: {  	[sflag:s17] =	ssyncset.done $0x0  }
0x145: {  	[sflag:s17] =	ssyncadd.s32 $0xFFFFD800  }
0x146: {  	[spmem:s3] =	stream.indirect.scatter.add.f32 [tilespmem:s25], [sflag:$0x4], $0x80, s6, s31, $0xb8;
	[tilespmem:$0x1C840] =	vst v63  }
0x147: {  	_ =	swait.ge [sflag:s26], $0x2800  }
0x148: {  	[sflag:s26] =	ssyncset.done $0x0  }
0x149: {  	s19 =	rddreg [dreg:$0xb];
	[sflag:s26] =	ssyncadd.s32 $0xFFFFD800  }
0x14a: {  	[tilespmem:s25], [sflag:$0x1] =	stream.indirect.gather [hbm4b:s0+s31], $0x80, s19, s31, $0xb8;
	[tilespmem:$0x1C840] =	vst v63  }
0x14b: {  	_ =	swait.ge [sflag:s18], $0x2800  }
0x14c: {  	[sflag:s18] =	ssyncset.done $0x0  }
0x14d: {  	[sflag:s18] =	ssyncadd.s32 $0xFFFFD800  }
0x14e: {  	[spmem:s3] =	stream.indirect.scatter.add.f32 [tilespmem:s16], [sflag:$0x4], $0x80, s9, s31, $0xb8;
	[tilespmem:$0x1C840] =	vst v63  }
0x14f: {  	_ =	swait.ge [sflag:s26], $0x2800  }
0x150: {  	[sflag:s26] =	ssyncset.done $0x0  }
0x151: {  	s19 =	rddreg [dreg:$0xc];
	[sflag:s26] =	ssyncadd.s32 $0xFFFFD800  }
0x152: {  	[tilespmem:s16], [sflag:$0x2] =	stream.indirect.gather [hbm4b:s0+s31], $0x80, s19, s31, $0xb8;
	[tilespmem:$0x1C840] =	vst v63  }
0x153: {  	_ =	swait.ge [sflag:s17], $0x2800  }
0x154: {  	[sflag:s17] =	ssyncset.done $0x0  }
0x155: {  	[sflag:s17] =	ssyncadd.s32 $0xFFFFD800  }
0x156: {  	[spmem:s3] =	stream.indirect.scatter.add.f32 [tilespmem:s25], [sflag:$0x4], $0x80, s10, s31, $0xb8;
	[tilespmem:$0x1C840] =	vst v63  }
0x157: {  	_ =	swait.ge [sflag:s26], $0x2800  }
0x158: {  	s20 =	smov.u32 s7;
	[sflag:s26] =	ssyncset.done $0x0  }
0x159: {  	s8 =	smov.u32 s20;
	s20 =	simm.s32 $0x169E0;
	[sflag:s26] =	ssyncadd.s32 $0xFFFFD800  }
0x15a: {  	[tilespmem:s25], [sflag:$0x1] =	stream.indirect.gather [hbm4b:s0+s31], $0x80, s20, s31, $0xb8;
	[tilespmem:$0x1C840] =	vst v63  }
0x15b: {  	_ =	swait.ge [sflag:s18], $0x2800  }
0x15c: {  	[sflag:s18] =	ssyncset.done $0x0  }
0x15d: {  	[sflag:s18] =	ssyncadd.s32 $0xFFFFD800  }
0x15e: {  	[spmem:s3] =	stream.indirect.scatter.add.f32 [tilespmem:s16], [sflag:$0x4], $0x80, s11, s31, $0xb8;
	[tilespmem:$0x1C840] =	vst v63  }
0x15f: {  	_ =	swait.ge [sflag:s26], $0x2800  }
0x160: {  	[sflag:s26] =	ssyncset.done $0x0  }
0x161: {  	[sflag:s26] =	ssyncadd.s32 $0xFFFFD800  }
0x162: {  	[tilespmem:s16], [sflag:$0x2] =	stream.indirect.gather [hbm4b:s0+s31], $0x80, s21, s31, $0xb8;
	[tilespmem:$0x1C840] =	vst v63  }
0x163: {  	_ =	swait.ge [sflag:s17], $0x2800  }
0x164: {  	[sflag:s17] =	ssyncset.done $0x0  }
0x165: {  	[sflag:s17] =	ssyncadd.s32 $0xFFFFD800  }
0x166: {  	[spmem:s3] =	stream.indirect.scatter.add.f32 [tilespmem:s25], [sflag:$0x4], $0x80, s12, s31, $0xb8;
	[tilespmem:$0x1C840] =	vst v63  }
0x167: {  	_ =	swait.ge [sflag:s26], $0x2800  }
0x168: {  	[sflag:s26] =	ssyncset.done $0x0  }
0x169: {  	[sflag:s26] =	ssyncadd.s32 $0xFFFFD800  }
0x16a: {  	[tilespmem:s25], [sflag:$0x1] =	stream.indirect.gather [hbm4b:s0+s31], $0x80, s22, s31, $0xb8;
	[tilespmem:$0x1C840] =	vst v63  }
0x16b: {  	_ =	swait.ge [sflag:s18], $0x2800  }
0x16c: {  	[sflag:s18] =	ssyncset.done $0x0  }
0x16d: {  	[sflag:s18] =	ssyncadd.s32 $0xFFFFD800  }
0x16e: {  	[spmem:s3] =	stream.indirect.scatter.add.f32 [tilespmem:s16], [sflag:$0x4], $0x80, s13, s31, $0xb8;
	[tilespmem:$0x1C840] =	vst v63  }
0x16f: {  	_ =	swait.ge [sflag:s26], $0x2800  }
0x170: {  	[sflag:s26] =	ssyncset.done $0x0  }
0x171: {  	s19 =	simm.s32 $0x16AD0;
	[sflag:s26] =	ssyncadd.s32 $0xFFFFD800  }
0x172: {  	[tilespmem:s16], [sflag:$0x2] =	stream.indirect.gather [hbm4b:s0+s31], $0x80, s19, s31, $0xb8;
	[tilespmem:$0x1C840] =	vst v63  }
0x173: {  	_ =	swait.ge [sflag:s17], $0x2800  }
0x174: {  	[sflag:s17] =	ssyncset.done $0x0  }
0x175: {  	[sflag:s17] =	ssyncadd.s32 $0xFFFFD800  }
0x176: {  	[spmem:s3] =	stream.indirect.scatter.add.f32 [tilespmem:s25], [sflag:$0x4], $0x80, s14, s31, $0xb8;
	[tilespmem:$0x1C840] =	vst v63  }
0x177: {  	_ =	swait.ge [sflag:s26], $0x2800  }
0x178: {  	[sflag:s26] =	ssyncset.done $0x0  }
0x179: {  	[sflag:s26] =	ssyncadd.s32 $0xFFFFD800  }
0x17a: {  	_ =	swait.ge [sflag:s18], $0x2800  }
0x17b: {  	[sflag:s18] =	ssyncset.done $0x0  }
0x17c: {  	[sflag:s18] =	ssyncadd.s32 $0xFFFFD800  }
0x17d: {  	[spmem:s3] =	stream.indirect.scatter.add.f32 [tilespmem:s16], [sflag:$0x4], $0x80, s15, s31, $0xb8;
	[tilespmem:$0x1C840] =	vst v63  }
0x17e: {  	_ =	swait.ge [sflag:s26], $0x2800  }
0x17f: {  	[sflag:s26] =	ssyncset.done $0x0  }
0x180: {  	[sflag:s26] =	ssyncadd.s32 $0xFFFFD800  }
0x181: {  	_ =	swait.ge [sflag:s24], $0x500  }
0x182: {  	[sflag:s24] =	ssyncset.done $0x0  }
0x183: {  	[sflag:s24] =	ssyncadd.s32 $0xFFFFFB00  }
0x184: {  	_ =	swait.ge [sflag:s24], $0x500  }
0x185: {  	[sflag:s24] =	ssyncset.done $0x0  }
0x186: {  	[sflag:s24] =	ssyncadd.s32 $0xFFFFFB00  }
0x187: {  	_ =	swait.ge [sflag:s24], $0x500  }
0x188: {  	[sflag:s24] =	ssyncset.done $0x0  }
0x189: {  	[sflag:s24] =	ssyncadd.s32 $0xFFFFFB00  }
0x18a: {  	_ =	swait.ge [sflag:s24], $0x500  }
0x18b: {  	[sflag:s24] =	ssyncset.done $0x0  }
0x18c: {  	[sflag:s24] =	ssyncadd.s32 $0xFFFFFB00  }
0x18d: {  	_ =	swait.ge [sflag:s24], $0x500  }
0x18e: {  	[sflag:s24] =	ssyncset.done $0x0  }
0x18f: {  	[sflag:s24] =	ssyncadd.s32 $0xFFFFFB00  }
0x190: {  	_ =	swait.ge [sflag:s24], $0x500  }
0x191: {  	[sflag:s24] =	ssyncset.done $0x0  }
0x192: {  	[sflag:s24] =	ssyncadd.s32 $0xFFFFFB00  }
0x193: {  	_ =	swait.ge [sflag:s24], $0x500  }
0x194: {  	[sflag:s24] =	ssyncset.done $0x0  }
0x195: {  	[sflag:s24] =	ssyncadd.s32 $0xFFFFFB00  }
0x196: {  	_ =	swait.ge [sflag:s24], $0x500  }
0x197: {  	[sflag:s24] =	ssyncset.done $0x0  }
0x198: {  	p0 =	sne.s32 s7, $0x960;
	[sflag:s24] =	ssyncadd.s32 $0xFFFFFB00  }
.Ltmp2:
0x199: {  	_ =	swait.ge [sflag:s24], $0x500;
	(pc) =	sbr.rel @p0 .LBB2_6-.Ltmp2, $4  }
0x19a: {  	[sflag:s24] =	ssyncset.done $0x0  }
0x19b: {  	[sflag:s24] =	ssyncadd.s32 $0xFFFFFB00  }
0x19c: {  	_ =	swait.ge [sflag:s24], $0x500  }
0x19d: {  	s7 =	sadd.s32 $0x64, s7;
	s19 =	rddreg [dreg:$0x7];
	[sflag:s24] =	ssyncset.done $0x0  }
0x19e: {  	[sflag:s24] =	ssyncadd.s32 $0xFFFFFB00;
	s7 =	sadd.s32 s8, s19  }
0x19f: {  	[tilespmem:s29], [sflag:$0x4] =	stream.linear.gather [hbm4b:s7+s5], $0x320, $0x38;
	[tilespmem:$0x1C840] =	vst v63  }
0x1a0: {  	_ =	swait.ge [sflag:s26], $0x320  }
0x1a1: {  	s19 =	rddreg [dreg:$0x6];
	[sflag:s26] =	ssyncset.done $0x0  }
0x1a2: {  	[sflag:s26] =	ssyncadd.s32 $0xFFFFFCE0;
	s7 =	sadd.s32 s8, s19  }
0x1a3: {  	[tilespmem:s30], [sflag:$0x4] =	stream.linear.gather [hbm4b:s7+s5], $0x320, $0x38;
	[tilespmem:$0x1C840] =	vst v63  }
0x1a4: {  	_ =	swait.ge [sflag:s26], $0x320  }
0x1a5: {  	[sflag:s26] =	ssyncset.done $0x0  }
0x1a6: {  	[sflag:s26] =	ssyncadd.s32 $0xFFFFFCE0  }
0x1a7: {  	[spmem:s4] =	stream.indirect.scatter.add.f32 [tilespmem:s2], [sflag:$0x3], $0x10, s30, s31, $0xb8;
	[tilespmem:$0x1C840] =	vst v63  }
0x1a8: {  	_ = 	snop  }
0x1a9: {  	[spmem:s4] =	stream.indirect.scatter.add.f32 [tilespmem:s2], [sflag:$0x3], $0x10, s1, s31, $0xb8;
	[tilespmem:$0x1C840] =	vst v63  }
0x1aa: {  	_ = 	snop  }
0x1ab: {  	[spmem:s4] =	stream.indirect.scatter.add.f32 [tilespmem:s2], [sflag:$0x3], $0x10, s6, s31, $0xb8;
	[tilespmem:$0x1C840] =	vst v63  }
0x1ac: {  	_ = 	snop  }
0x1ad: {  	[spmem:s4] =	stream.indirect.scatter.add.f32 [tilespmem:s2], [sflag:$0x3], $0x10, s9, s31, $0xb8;
	[tilespmem:$0x1C840] =	vst v63  }
0x1ae: {  	_ = 	snop  }
0x1af: {  	[spmem:s4] =	stream.indirect.scatter.add.f32 [tilespmem:s2], [sflag:$0x3], $0x10, s10, s31, $0xb8;
	[tilespmem:$0x1C840] =	vst v63  }
0x1b0: {  	_ = 	snop  }
0x1b1: {  	[spmem:s4] =	stream.indirect.scatter.add.f32 [tilespmem:s2], [sflag:$0x3], $0x10, s11, s31, $0xb8;
	[tilespmem:$0x1C840] =	vst v63  }
0x1b2: {  	_ = 	snop  }
0x1b3: {  	[spmem:s4] =	stream.indirect.scatter.add.f32 [tilespmem:s2], [sflag:$0x3], $0x10, s12, s31, $0xb8;
	[tilespmem:$0x1C840] =	vst v63  }
0x1b4: {  	_ = 	snop  }
0x1b5: {  	[spmem:s4] =	stream.indirect.scatter.add.f32 [tilespmem:s2], [sflag:$0x3], $0x10, s13, s31, $0xb8;
	[tilespmem:$0x1C840] =	vst v63  }
0x1b6: {  	_ = 	snop  }
0x1b7: {  	[spmem:s4] =	stream.indirect.scatter.add.f32 [tilespmem:s2], [sflag:$0x3], $0x10, s14, s31, $0xb8;
	[tilespmem:$0x1C840] =	vst v63  }
0x1b8: {  	_ = 	snop  }
0x1b9: {  	[spmem:s4] =	stream.indirect.scatter.add.f32 [tilespmem:s2], [sflag:$0x3], $0x10, s15, s31, $0xb8;
	[tilespmem:$0x1C840] =	vst v63  }
0x1ba: {  	_ = 	snop  }
0x1bb: {  	[tilespmem:s25], [sflag:$0x1] =	stream.indirect.gather [hbm4b:s0+s31], $0x80, s29, s31, $0xb8;
	[tilespmem:$0x1C840] =	vst v63  }
0x1bc: {  	s19 =	rddreg [dreg:$0x8]  }
0x1bd: {  	[tilespmem:s16], [sflag:$0x2] =	stream.indirect.gather [hbm4b:s0+s31], $0x80, s19, s31, $0xb8;
	[tilespmem:$0x1C840] =	vst v63  }
0x1be: {  	_ =	swait.ge [sflag:s17], $0x2800  }
0x1bf: {  	[sflag:s17] =	ssyncset.done $0x0  }
0x1c0: {  	[sflag:s17] =	ssyncadd.s32 $0xFFFFD800  }
0x1c1: {  	[spmem:s3] =	stream.indirect.scatter.add.f32 [tilespmem:s25], [sflag:$0x4], $0x80, s30, s31, $0xb8;
	[tilespmem:$0x1C840] =	vst v63  }
0x1c2: {  	_ =	swait.ge [sflag:s26], $0x2800  }
0x1c3: {  	[sflag:s26] =	ssyncset.done $0x0  }
0x1c4: {  	s8 =	rddreg [dreg:$0x9];
	[sflag:s26] =	ssyncadd.s32 $0xFFFFD800  }
0x1c5: {  	[tilespmem:s25], [sflag:$0x1] =	stream.indirect.gather [hbm4b:s0+s31], $0x80, s8, s31, $0xb8;
	[tilespmem:$0x1C840] =	vst v63  }
0x1c6: {  	_ =	swait.ge [sflag:s18], $0x2800  }
0x1c7: {  	[sflag:s18] =	ssyncset.done $0x0  }
0x1c8: {  	[sflag:s18] =	ssyncadd.s32 $0xFFFFD800  }
0x1c9: {  	[spmem:s3] =	stream.indirect.scatter.add.f32 [tilespmem:s16], [sflag:$0x4], $0x80, s1, s31, $0xb8;
	[tilespmem:$0x1C840] =	vst v63  }
0x1ca: {  	_ =	swait.ge [sflag:s26], $0x2800  }
0x1cb: {  	[sflag:s26] =	ssyncset.done $0x0  }
0x1cc: {  	s19 =	rddreg [dreg:$0xa];
	[sflag:s26] =	ssyncadd.s32 $0xFFFFD800  }
0x1cd: {  	[tilespmem:s16], [sflag:$0x2] =	stream.indirect.gather [hbm4b:s0+s31], $0x80, s19, s31, $0xb8;
	[tilespmem:$0x1C840] =	vst v63  }
0x1ce: {  	_ =	swait.ge [sflag:s17], $0x2800  }
0x1cf: {  	[sflag:s17] =	ssyncset.done $0x0  }
0x1d0: {  	[sflag:s17] =	ssyncadd.s32 $0xFFFFD800  }
0x1d1: {  	[spmem:s3] =	stream.indirect.scatter.add.f32 [tilespmem:s25], [sflag:$0x4], $0x80, s6, s31, $0xb8;
	[tilespmem:$0x1C840] =	vst v63  }
0x1d2: {  	_ =	swait.ge [sflag:s26], $0x2800  }
0x1d3: {  	[sflag:s26] =	ssyncset.done $0x0  }
0x1d4: {  	s8 =	rddreg [dreg:$0xb];
	[sflag:s26] =	ssyncadd.s32 $0xFFFFD800  }
0x1d5: {  	[tilespmem:s25], [sflag:$0x1] =	stream.indirect.gather [hbm4b:s0+s31], $0x80, s8, s31, $0xb8;
	[tilespmem:$0x1C840] =	vst v63  }
0x1d6: {  	_ =	swait.ge [sflag:s18], $0x2800  }
0x1d7: {  	[sflag:s18] =	ssyncset.done $0x0  }
0x1d8: {  	[sflag:s18] =	ssyncadd.s32 $0xFFFFD800  }
0x1d9: {  	[spmem:s3] =	stream.indirect.scatter.add.f32 [tilespmem:s16], [sflag:$0x4], $0x80, s9, s31, $0xb8;
	[tilespmem:$0x1C840] =	vst v63  }
0x1da: {  	_ =	swait.ge [sflag:s26], $0x2800  }
0x1db: {  	[sflag:s26] =	ssyncset.done $0x0  }
0x1dc: {  	s19 =	rddreg [dreg:$0xc];
	[sflag:s26] =	ssyncadd.s32 $0xFFFFD800  }
0x1dd: {  	[tilespmem:s16], [sflag:$0x2] =	stream.indirect.gather [hbm4b:s0+s31], $0x80, s19, s31, $0xb8;
	[tilespmem:$0x1C840] =	vst v63  }
0x1de: {  	_ =	swait.ge [sflag:s17], $0x2800  }
0x1df: {  	[sflag:s17] =	ssyncset.done $0x0  }
0x1e0: {  	[sflag:s17] =	ssyncadd.s32 $0xFFFFD800  }
0x1e1: {  	[spmem:s3] =	stream.indirect.scatter.add.f32 [tilespmem:s25], [sflag:$0x4], $0x80, s10, s31, $0xb8;
	[tilespmem:$0x1C840] =	vst v63  }
0x1e2: {  	_ =	swait.ge [sflag:s26], $0x2800  }
0x1e3: {  	[sflag:s26] =	ssyncset.done $0x0  }
0x1e4: {  	[sflag:s26] =	ssyncadd.s32 $0xFFFFD800  }
0x1e5: {  	[tilespmem:s25], [sflag:$0x1] =	stream.indirect.gather [hbm4b:s0+s31], $0x80, s20, s31, $0xb8;
	[tilespmem:$0x1C840] =	vst v63  }
0x1e6: {  	_ =	swait.ge [sflag:s18], $0x2800  }
0x1e7: {  	[sflag:s18] =	ssyncset.done $0x0  }
0x1e8: {  	[sflag:s18] =	ssyncadd.s32 $0xFFFFD800  }
0x1e9: {  	[spmem:s3] =	stream.indirect.scatter.add.f32 [tilespmem:s16], [sflag:$0x4], $0x80, s11, s31, $0xb8;
	[tilespmem:$0x1C840] =	vst v63  }
0x1ea: {  	_ =	swait.ge [sflag:s26], $0x2800  }
0x1eb: {  	[sflag:s26] =	ssyncset.done $0x0  }
0x1ec: {  	[sflag:s26] =	ssyncadd.s32 $0xFFFFD800  }
0x1ed: {  	[tilespmem:s16], [sflag:$0x2] =	stream.indirect.gather [hbm4b:s0+s31], $0x80, s21, s31, $0xb8;
	[tilespmem:$0x1C840] =	vst v63  }
0x1ee: {  	_ =	swait.ge [sflag:s17], $0x2800  }
0x1ef: {  	[sflag:s17] =	ssyncset.done $0x0  }
0x1f0: {  	[sflag:s17] =	ssyncadd.s32 $0xFFFFD800  }
0x1f1: {  	[spmem:s3] =	stream.indirect.scatter.add.f32 [tilespmem:s25], [sflag:$0x4], $0x80, s12, s31, $0xb8;
	[tilespmem:$0x1C840] =	vst v63  }
0x1f2: {  	_ =	swait.ge [sflag:s26], $0x2800  }
0x1f3: {  	[sflag:s26] =	ssyncset.done $0x0  }
0x1f4: {  	[sflag:s26] =	ssyncadd.s32 $0xFFFFD800  }
0x1f5: {  	[tilespmem:s25], [sflag:$0x1] =	stream.indirect.gather [hbm4b:s0+s31], $0x80, s22, s31, $0xb8;
	[tilespmem:$0x1C840] =	vst v63  }
0x1f6: {  	_ =	swait.ge [sflag:s18], $0x2800  }
0x1f7: {  	[sflag:s18] =	ssyncset.done $0x0  }
0x1f8: {  	[sflag:s18] =	ssyncadd.s32 $0xFFFFD800  }
0x1f9: {  	[spmem:s3] =	stream.indirect.scatter.add.f32 [tilespmem:s16], [sflag:$0x4], $0x80, s13, s31, $0xb8;
	[tilespmem:$0x1C840] =	vst v63  }
0x1fa: {  	_ =	swait.ge [sflag:s26], $0x2800  }
0x1fb: {  	[sflag:s26] =	ssyncset.done $0x0  }
0x1fc: {  	s20 =	simm.s32 $0x16AD0;
	[sflag:s26] =	ssyncadd.s32 $0xFFFFD800  }
0x1fd: {  	[tilespmem:s16], [sflag:$0x2] =	stream.indirect.gather [hbm4b:s0+s31], $0x80, s20, s31, $0xb8;
	[tilespmem:$0x1C840] =	vst v63  }
0x1fe: {  	_ =	swait.ge [sflag:s17], $0x2800  }
0x1ff: {  	[sflag:s17] =	ssyncset.done $0x0  }
0x200: {  	[sflag:s17] =	ssyncadd.s32 $0xFFFFD800  }
0x201: {  	[spmem:s3] =	stream.indirect.scatter.add.f32 [tilespmem:s25], [sflag:$0x4], $0x80, s14, s31, $0xb8;
	[tilespmem:$0x1C840] =	vst v63  }
0x202: {  	_ =	swait.ge [sflag:s26], $0x2800  }
0x203: {  	[sflag:s26] =	ssyncset.done $0x0  }
0x204: {  	[sflag:s26] =	ssyncadd.s32 $0xFFFFD800  }
0x205: {  	_ =	swait.ge [sflag:s18], $0x2800  }
0x206: {  	[sflag:s18] =	ssyncset.done $0x0  }
0x207: {  	[sflag:s18] =	ssyncadd.s32 $0xFFFFD800  }
0x208: {  	[spmem:s3] =	stream.indirect.scatter.add.f32 [tilespmem:s16], [sflag:$0x4], $0x80, s15, s31, $0xb8;
	[tilespmem:$0x1C840] =	vst v63  }
0x209: {  	_ =	swait.ge [sflag:s26], $0x2800  }
0x20a: {  	[sflag:s26] =	ssyncset.done $0x0  }
0x20b: {  	[sflag:s26] =	ssyncadd.s32 $0xFFFFD800  }
0x20c: {  	_ =	swait.ge [sflag:s24], $0x500  }
0x20d: {  	[sflag:s24] =	ssyncset.done $0x0  }
0x20e: {  	[sflag:s24] =	ssyncadd.s32 $0xFFFFFB00  }
0x20f: {  	_ =	swait.ge [sflag:s24], $0x500  }
0x210: {  	[sflag:s24] =	ssyncset.done $0x0  }
0x211: {  	[sflag:s24] =	ssyncadd.s32 $0xFFFFFB00  }
0x212: {  	_ =	swait.ge [sflag:s24], $0x500  }
0x213: {  	[sflag:s24] =	ssyncset.done $0x0  }
0x214: {  	[sflag:s24] =	ssyncadd.s32 $0xFFFFFB00  }
0x215: {  	_ =	swait.ge [sflag:s24], $0x500  }
0x216: {  	[sflag:s24] =	ssyncset.done $0x0  }
0x217: {  	[sflag:s24] =	ssyncadd.s32 $0xFFFFFB00  }
0x218: {  	_ =	swait.ge [sflag:s24], $0x500  }
0x219: {  	[sflag:s24] =	ssyncset.done $0x0  }
0x21a: {  	[sflag:s24] =	ssyncadd.s32 $0xFFFFFB00  }
0x21b: {  	_ =	swait.ge [sflag:s24], $0x500  }
0x21c: {  	[sflag:s24] =	ssyncset.done $0x0  }
0x21d: {  	[sflag:s24] =	ssyncadd.s32 $0xFFFFFB00  }
0x21e: {  	_ =	swait.ge [sflag:s24], $0x500  }
0x21f: {  	[sflag:s24] =	ssyncset.done $0x0  }
0x220: {  	[sflag:s24] =	ssyncadd.s32 $0xFFFFFB00  }
0x221: {  	_ =	swait.ge [sflag:s24], $0x500  }
0x222: {  	[sflag:s24] =	ssyncset.done $0x0  }
0x223: {  	[sflag:s24] =	ssyncadd.s32 $0xFFFFFB00  }
0x224: {  	_ =	swait.ge [sflag:s24], $0x500  }
0x225: {  	[sflag:s24] =	ssyncset.done $0x0  }
0x226: {  	[sflag:s24] =	ssyncadd.s32 $0xFFFFFB00  }
0x227: {  	_ =	swait.ge [sflag:s24], $0x500  }
0x228: {  	[sflag:s24] =	ssyncset.done $0x0  }
0x229: {  	[sflag:s24] =	ssyncadd.s32 $0xFFFFFB00  }
0x22a: {  	[bflag:$0x0] =	sbarrier.arrive $0xFFFF  }
0x22b: {  	s20 =	rddreg [dreg:$0xe]  }
0x22c: {  	[tilespmem:s25], [sflag:$0x4] =	stream.linear.gather [spmem:s20], $0x2800, $0x38;
	[tilespmem:$0x1C840] =	vst v63  }
0x22d: {  	_ =	swait.ge [sflag:s26], $0x2800  }
0x22e: {  	[sflag:s26] =	ssyncset.done $0x0  }
0x22f: {  	s8 =	rddreg [dreg:$0x1e];
	[sflag:s26] =	ssyncadd.s32 $0xFFFFD800  }
0x230: {  	[hbm4b:s8+s5] =	stream.linear.scatter [tilespmem:s25], [sflag:$0x4], $0x2800, $0x38;
	[tilespmem:$0x1C840] =	vst v63  }
0x231: {  	_ =	swait.ge [sflag:s26], $0x2800  }
0x232: {  	[sflag:s26] =	ssyncset.done $0x0  }
0x233: {  	s19 =	rddreg [dreg:$0xf];
	[sflag:s26] =	ssyncadd.s32 $0xFFFFD800  }
0x234: {  	[tilespmem:s28], [sflag:$0x4] =	stream.linear.gather [spmem:s19], $0x500, $0x38;
	[tilespmem:$0x1C840] =	vst v63  }
0x235: {  	_ =	swait.ge [sflag:s26], $0x500  }
0x236: {  	[sflag:s26] =	ssyncset.done $0x0  }
0x237: {  	s21 =	sadd.s32 $0x0, s23;
	[sflag:s26] =	ssyncadd.s32 $0xFFFFFB00  }
0x238: {  	[hbm4b:s21+s5] =	stream.linear.scatter [tilespmem:s28], [sflag:$0x4], $0x500, $0x38;
	[tilespmem:$0x1C840] =	vst v63  }
0x239: {  	_ =	swait.ge [sflag:s26], $0x500  }
0x23a: {  	s7 =	simm.s32 $0xA0;
	s8 =	sadd.s32 $0x500, s8;
	[sflag:s26] =	ssyncset.done $0x0  }
.LBB2_8:
0x23b: {  	[sflag:s26] =	ssyncadd.s32 $0xFFFFFB00  }
0x23c: {  	s19 =	sadd.s32 $0x500, s19;
	s20 =	sadd.s32 $0x2800, s20;
	s21 =	smov.u32 s7  }
0x23d: {  	[tilespmem:s25], [sflag:$0x4] =	stream.linear.gather [spmem:s20], $0x2800, $0x38;
	[tilespmem:$0x1C840] =	vst v63  }
0x23e: {  	p0 =	sne.s32 s7, $0x460;
	s7 =	sadd.s32 $0xA0, s7;
	_ =	swait.ge [sflag:s26], $0x2800  }
0x23f: {  	[sflag:s26] =	ssyncset.done $0x0  }
0x240: {  	[sflag:s26] =	ssyncadd.s32 $0xFFFFD800  }
0x241: {  	[hbm4b:s8+s5] =	stream.linear.scatter [tilespmem:s25], [sflag:$0x4], $0x2800, $0x38;
	[tilespmem:$0x1C840] =	vst v63  }
0x242: {  	_ =	swait.ge [sflag:s26], $0x2800  }
0x243: {  	[sflag:s26] =	ssyncset.done $0x0  }
0x244: {  	[sflag:s26] =	ssyncadd.s32 $0xFFFFD800  }
0x245: {  	[tilespmem:s28], [sflag:$0x4] =	stream.linear.gather [spmem:s19], $0x500, $0x38;
	[tilespmem:$0x1C840] =	vst v63  }
0x246: {  	_ =	swait.ge [sflag:s26], $0x500  }
.Ltmp3:
0x247: {  	[sflag:s26] =	ssyncset.done $0x0;
	(pc) =	sbr.rel @p0 .LBB2_8-.Ltmp3, $4  }
0x248: {  	s21 =	sadd.s32 s21, s23;
	[sflag:s26] =	ssyncadd.s32 $0xFFFFFB00  }
0x249: {  	[hbm4b:s21+s5] =	stream.linear.scatter [tilespmem:s28], [sflag:$0x4], $0x500, $0x38;
	[tilespmem:$0x1C840] =	vst v63  }
0x24a: {  	_ =	swait.ge [sflag:s26], $0x500  }
0x24b: {  	s8 =	sadd.s32 $0x500, s8;
	[sflag:s26] =	ssyncset.done $0x0  }
0x24c: {  	s8 =	rddreg [dreg:$0x1f]  }
0x24d: {  	s7 =	rddreg [dreg:$0xd];
	s8 =	sadd.s32 $0x1, s8  }
0x24e: {  	p0 =	sne.s32 s8, s7  }
.Ltmp4:
0x24f: {  	_ = 	snop;
	(pc) =	sbr.rel @p0 .LBB2_1-.Ltmp4, $2  }
0x250: {  	_ =	sdelay $0x2  }
0x251: {  	[sflag:s26] =	ssyncadd.s32 $0xFFFFFB00;
	s21 =	rddreg [dreg:$0xe];
	s20 =	simm.s32 $0x169E0  }
0x252: {  	_ =	sfence.sel $0x180000  }
0x253: {  	[bflag:$0x0] =	sbarrier.arrive $0xFFFF  }
0x254: {  	_ =	strace $0x90000047  }
0x255: {  	s0 =	stileid.u32;
	[bflag:$0x2] =	sbarrier.arrive $0xFFFF  }
0x256: {  	p0 =	sne.s32 s0, $0x0;
	s0 =	rddreg [dreg:$0x5]  }
0x257: {  	s0 =	sadd.s32 @!p0 $0x100000, s0  }
0x258: {  	[sflag:s0] =	ssyncadd.tile.s32 @!p0 $0x1;
	_ =	shalt  }
.Lfunc_end2:
_tile_overlayer_lowered:
.L_overlay_start_2:
0x259: {  	(tag) =	ssettag $0x2  }
0x25a: {  	s0 =	rddreg [dreg:$0x0];
	s2 =	stileid.u32  }
0x25b: {  	s1 =	rddreg [dreg:$0x1];
	p0 =	sne.s32 s2, $0x0  }
0x25c: {  	s3 =	rddreg [dreg:$0x2];
	[bflag:$0x3] =	sbarrier.arrive $0xFFFF;
	s2 =	simm.s32 @!p0 $0x1C04  }
0x25d: {  	[timem:s3], [sflag:s2] =	dma.local @!p0 [hbm:s0], s1  }
0x25e: {  	s0 =	simm.s32 @!p0 $0x4  }
0x25f: {  	_ =	swait.ge @!p0 [sflag:s0], s1  }
0x260: {  	s1 =	ssub.s32 @!p0 $0x0, s1;
	[sflag:s0] =	ssyncset.done @!p0 $0x0  }
0x261: {  	[sflag:s0] =	ssyncadd.s32 @!p0 s1  }
0x262: {  	[bflag:$0x3] =	sbarrier.arrive $0xFFFF  }
0x263: {  	_ =	shalt  }

</sc_bundles>
